<compile_context>
chip_gen: v7x
topology: tpu7x:2x2x1
jax: 0.10.2.dev20260603
libtpu: 0.0.44.dev20260713+nightly
codegen_flags: <defaults>
</compile_context>

<pallas_src>
import functools

import jax
import jax.numpy as jnp
from jax import lax
from jax.experimental import pallas as pl
from jax.experimental.pallas import tpu as pltpu
from jax.experimental.pallas import tpu_sc as plsc

NUM_DAGS = 100000
P = 32
BATCH = 16384
NC, NS = 2, 16
NW = NC * NS
KA = 50048
KB = NUM_DAGS - KA
BC = 4096
NQ = BATCH // BC
UNROLL = 8

_mesh = plsc.VectorSubcoreMesh(core_axis_name="c", subcore_axis_name="s")


@functools.partial(
    pl.kernel,
    mesh=_mesh,
    out_type=jax.ShapeDtypeStruct((P, P, BATCH), jnp.float32),
    compiler_params=pltpu.CompilerParams(needs_layout_passes=False),
    scratch_types=(
        pltpu.VMEM_SHARED((BATCH,), jnp.int32),
        pltpu.VMEM((KA,), jnp.float32),
        pltpu.VMEM((KB,), jnp.float32),
        pltpu.VMEM((BC,), jnp.int32),
        pltpu.VMEM((BC,), jnp.int32),
        pltpu.VMEM((BATCH,), jnp.float32),
        pltpu.SemaphoreType.DMA,
        pltpu.SemaphoreType.DMA,
        pltpu.SemaphoreType.DMA,
        pltpu.SemaphoreType.DMA,
        pltpu.SemaphoreType.DMA,
        pltpu.SemaphoreType.DMA,
        pltpu.SemaphoreType.DMA,
        pltpu.SemaphoreType.DMA,
    ),
)
def _row_sweep(g_hbm, idx_hbm, out_hbm, idx_sp, slabA, slabB, idxq0, idxq1,
               stage, ssemA, ssemB, qsem0, qsem1, osem0, osem1, osem2, osem3):
    c_ax = lax.axis_index("c")
    s_ax = lax.axis_index("s")
    i = s_ax * NC + c_ax

    pltpu.async_copy(g_hbm.at[i, 0, pl.ds(0, KA)], slabA, ssemA)

    @pl.when(s_ax == 0)
    def _stage_idx():
        pltpu.sync_copy(idx_hbm, idx_sp)

    plsc.subcore_barrier()

    slabs = (slabA, slabB)
    ssems = (ssemA, ssemB)
    idxqs = (idxq0, idxq1)
    qsems = (qsem0, qsem1)
    osems = (osem0, osem1, osem2, osem3)
    klen = (KA, KB)
    iota16 = lax.iota(jnp.int32, 16)

    def slab_slice(j, h):
        return g_hbm.at[i, j, pl.ds(h * KA, klen[h])]

    def q_slice(cq):
        return idx_sp.at[pl.ds(cq * BC, BC)]

    pltpu.async_copy(q_slice(0), idxq0, qsem0)

    def jbody(j, carry):
        m = jnp.where(i == j, 0.0, 1.0).astype(jnp.float32)
        for h in (0, 1):
            if h == 0:
                pltpu.async_copy(slab_slice(j, 1), slabB, ssemB)
            else:
                @pl.when(j + 1 < P)
                def _next_row():
                    pltpu.async_copy(slab_slice(j + 1, 0), slabA, ssemA)
            pltpu.make_async_copy(slab_slice(j, h), slabs[h], ssems[h]).wait()

            for cq in range(NQ):
                qb = cq & 1
                pltpu.make_async_copy(q_slice(cq), idxqs[qb], qsems[qb]).wait()
                nq = (cq + 1) % NQ
                pltpu.async_copy(q_slice(nq), idxqs[nq & 1], qsems[nq & 1])

                if h == 0:
                    @pl.when(j > 0)
                    def _drain_out():
                        pltpu.make_async_copy(
                            stage.at[pl.ds(cq * BC, BC)],
                            out_hbm.at[i, j, pl.ds(cq * BC, BC)],
                            osems[cq],
                        ).wait()

                idxq = idxqs[qb]
                base = cq * BC

                @plsc.parallel_loop(0, BC // 16, step=1, unroll=UNROLL)
                def ebody(v):
                    off = v * 16
                    kv = idxq[pl.ds(off, 16)]
                    if h == 0:
                        msk = kv < KA
                        kl = kv
                    else:
                        msk = kv >= KA
                        kl = kv - KA
                    vals = plsc.load_gather(slabs[h], [kl], mask=msk)
                    pos = (base + off) + iota16
                    plsc.store_scatter(stage, [pos], vals * m, mask=msk)

                if h == 1:
                    pltpu.async_copy(
                        stage.at[pl.ds(base, BC)],
                        out_hbm.at[i, j, pl.ds(base, BC)],
                        osems[cq],
                    )
        return carry

    lax.fori_loop(0, P, jbody, 0)
    pltpu.make_async_copy(q_slice(0), idxq0, qsem0).wait()
    for cq in range(NQ):
        pltpu.make_async_copy(
            stage.at[pl.ds(cq * BC, BC)],
            out_hbm.at[i, P - 1, pl.ds(cq * BC, BC)],
            osems[cq],
        ).wait()


def kernel(g, idx):
    g_t = jnp.transpose(g, (1, 2, 0))
    idx32 = idx.astype(jnp.int32)
    out_t = _row_sweep(g_t, idx32)
    return jnp.transpose(out_t, (2, 0, 1))

# --- scband reference (transcript-rebuilt; emitter-appended) ---
"""Pipeline reference for scband-g-dag-6313601925504 (READ-ONLY COPY).

The authoritative reference and input builder live on the scoring server;
editing this copy changes nothing except your own understanding.
"""

import jax, jax.numpy as jnp
import numpy as np

NUM_DAGS = 100000
P = 32
BATCH = 16384


def setup_inputs(seed: int = 0) -> dict:
    key = jax.random.key(seed)
    k1, k2 = jax.random.split(key)
    # learned parameter: _g ~ U[0,1), shape [num_dags, p, p] (torch.rand init)
    g = jax.random.uniform(k1, (NUM_DAGS, P, P), dtype=jnp.float32)
    idx = jax.random.randint(k2, (BATCH,), 0, NUM_DAGS, dtype=jnp.int64)
    return {"g": g, "idx": idx}


def reference(g, idx):
    # Faithful translation of G_DAG.forward: the `w` property zeroes the
    # diagonal of every per-DAG adjacency matrix, then forward gathers rows
    # of the [K, p, p] table by idx.
    p = g.shape[-1]
    mask = 1.0 - jnp.eye(p, dtype=g.dtype)  # (1 - eye(p)), broadcast over K
    w = g * mask[None, :, :]
    return jnp.take(w, idx, axis=0)

if __name__ == "__main__":
    import jax
    _d = setup_inputs()
    print(jax.jit(kernel)(*tuple(_d.values())))

</pallas_src>

<mosaic_0001>
#map = affine_map<(d0, d1) -> (0, 0, 0)>
#map1 = affine_map<(d0, d1) -> (0)>
module attributes {stable_mosaic.version = 14 : i64} {
  func.func @_row_sweep(%arg0: i32, %arg1: i32, %arg2: memref<32x32x100000xf32, #tpu.memory_space<hbm>>, %arg3: memref<16384xi32, #tpu.memory_space<hbm>>, %arg4: memref<32x32x16384xf32, #tpu.memory_space<hbm>>, %arg5: memref<16384xi32, #tpu.memory_space<vmem_shared>>, %arg6: memref<50048xf32, #tpu.memory_space<vmem>>, %arg7: memref<49952xf32, #tpu.memory_space<vmem>>, %arg8: memref<4096xi32, #tpu.memory_space<vmem>>, %arg9: memref<4096xi32, #tpu.memory_space<vmem>>, %arg10: memref<16384xf32, #tpu.memory_space<vmem>>, %arg11: memref<!tpu.dma_semaphore, #tpu.memory_space<semaphore_mem>>, %arg12: memref<!tpu.dma_semaphore, #tpu.memory_space<semaphore_mem>>, %arg13: memref<!tpu.dma_semaphore, #tpu.memory_space<semaphore_mem>>, %arg14: memref<!tpu.dma_semaphore, #tpu.memory_space<semaphore_mem>>, %arg15: memref<!tpu.dma_semaphore, #tpu.memory_space<semaphore_mem>>, %arg16: memref<!tpu.dma_semaphore, #tpu.memory_space<semaphore_mem>>, %arg17: memref<!tpu.dma_semaphore, #tpu.memory_space<semaphore_mem>>, %arg18: memref<!tpu.dma_semaphore, #tpu.memory_space<semaphore_mem>>) attributes {dimension_semantics = [#tpu.dimension_semantics<core_parallel>, #tpu.dimension_semantics<subcore_parallel>], iteration_bounds = array<i64: 2, 16>, scalar_prefetch = 0 : i64, scratch_operands = 14 : i64, tpu.core_type = #tpu.core_type<sc_vector_subcore>, window_params = [{transform_indices = #map}, {transform_indices = #map1}, {transform_indices = #map}]} {
    %mul3A = arith.constant 2 : i32
    %mul3A_0 = arith.muli %arg1, %mul3A : i32
    %add3A = arith.addi %mul3A_0, %arg0 : i32
    %dma_start3A = arith.constant 0 : i32
    %dma_start3A_1 = arith.constant 0 : i32
    %dma_start3A_2 = tpu.memref_slice %arg2[%add3A, %dma_start3A, %dma_start3A_1] : memref<32x32x100000xf32, #tpu.memory_space<hbm>> -> memref<1x1x50048xf32, #tpu.memory_space<hbm>>
    %dma_start3A_3 = tpu.memref_squeeze %dma_start3A_2 : memref<1x1x50048xf32, #tpu.memory_space<hbm>> -> memref<50048xf32, #tpu.memory_space<hbm>>
    %dma_start3A_4 = arith.constant 0 : i32
    %dma_start3A_5 = tpu.memref_slice %arg2[%add3A, %dma_start3A, %dma_start3A_4] : memref<32x32x100000xf32, #tpu.memory_space<hbm>> -> memref<1x1x50048xf32, #tpu.memory_space<hbm>>
    %dma_start3A_6 = tpu.memref_squeeze %dma_start3A_5 : memref<1x1x50048xf32, #tpu.memory_space<hbm>> -> memref<50048xf32, #tpu.memory_space<hbm>>
    tpu.enqueue_dma source(%dma_start3A_6 : memref<50048xf32, #tpu.memory_space<hbm>>) target(%arg6 : memref<50048xf32, #tpu.memory_space<vmem>>) target_semaphore(%arg11 : memref<!tpu.dma_semaphore, #tpu.memory_space<semaphore_mem>>)
    %eq3A = arith.constant 0 : i32
    %eq3A_7 = arith.cmpi eq, %arg1, %eq3A : i32
    %convert_element_type3A = arith.extui %eq3A_7 : i1 to i32
    %cond3A = arith.constant 0 : i32
    %cond3A_8 = arith.cmpi ne, %convert_element_type3A, %cond3A : i32
    scf.if %cond3A_8 {
      "tpu.region"() ({
        %run_scoped3A = tpu.sem_alloc : memref<!tpu.dma_semaphore, #tpu.memory_space<semaphore_mem>>
        tpu.enqueue_dma source(%arg3 : memref<16384xi32, #tpu.memory_space<hbm>>) target(%arg5 : memref<16384xi32, #tpu.memory_space<vmem_shared>>) target_semaphore(%run_scoped3A : memref<!tpu.dma_semaphore, #tpu.memory_space<semaphore_mem>>)
        tpu.wait_dma2 semaphore(%run_scoped3A : memref<!tpu.dma_semaphore, #tpu.memory_space<semaphore_mem>>) src(%arg3 : memref<16384xi32, #tpu.memory_space<hbm>>) dst(%arg5 : memref<16384xi32, #tpu.memory_space<vmem_shared>>)
        tpu.yield
      }) : () -> ()
    } else {
    }
    %barrier3A = arith.constant 0 : index
    tpu.barrier barrier_id(%barrier3A)
    %iota3A = tpu.iota {dimensions = array<i32: 0>} : vector<16xi32>
    %dma_start3A_9 = arith.constant 0 : i32
    %dma_start3A_10 = tpu.memref_slice %arg5[%dma_start3A_9] : memref<16384xi32, #tpu.memory_space<vmem_shared>> -> memref<4096xi32, #tpu.memory_space<vmem_shared>>
    %dma_start3A_11 = arith.constant 0 : i32
    %dma_start3A_12 = tpu.memref_slice %arg5[%dma_start3A_11] : memref<16384xi32, #tpu.memory_space<vmem_shared>> -> memref<4096xi32, #tpu.memory_space<vmem_shared>>
    tpu.enqueue_dma source(%dma_start3A_12 : memref<4096xi32, #tpu.memory_space<vmem_shared>>) target(%arg8 : memref<4096xi32, #tpu.memory_space<vmem>>) target_semaphore(%arg13 : memref<!tpu.dma_semaphore, #tpu.memory_space<semaphore_mem>>)
    %scan3A = arith.constant 0 : i32
    %scan3A_13 = arith.constant 0 : i32
    %scan3A_14 = arith.constant 32 : i32
    %scan3A_15 = arith.addi %scan3A_13, %scan3A_14 : i32
    %scan3A_16 = arith.constant 1 : i32
    scf.for %scan3A_65 = %scan3A_13 to %scan3A_15 step %scan3A_16  : i32 {
      %eq3A_66 = arith.cmpi eq, %add3A, %scan3A_65 : i32
      %jit3A = arith.constant 0.000000e+00 : f32
      %jit3A_67 = arith.constant 1.000000e+00 : f32
      %select_n3A = arith.select %eq3A_66, %jit3A, %jit3A_67 : f32
      %dma_start3A_68 = arith.constant 50048 : i32
      %dma_start3A_69 = tpu.memref_slice %arg2[%add3A, %scan3A_65, %dma_start3A_68] : memref<32x32x100000xf32, #tpu.memory_space<hbm>> -> memref<1x1x49952xf32, #tpu.memory_space<hbm>>
      %dma_start3A_70 = tpu.memref_squeeze %dma_start3A_69 : memref<1x1x49952xf32, #tpu.memory_space<hbm>> -> memref<49952xf32, #tpu.memory_space<hbm>>
      %dma_start3A_71 = arith.constant 50048 : i32
      %dma_start3A_72 = tpu.memref_slice %arg2[%add3A, %scan3A_65, %dma_start3A_71] : memref<32x32x100000xf32, #tpu.memory_space<hbm>> -> memref<1x1x49952xf32, #tpu.memory_space<hbm>>
      %dma_start3A_73 = tpu.memref_squeeze %dma_start3A_72 : memref<1x1x49952xf32, #tpu.memory_space<hbm>> -> memref<49952xf32, #tpu.memory_space<hbm>>
      tpu.enqueue_dma source(%dma_start3A_73 : memref<49952xf32, #tpu.memory_space<hbm>>) target(%arg7 : memref<49952xf32, #tpu.memory_space<vmem>>) target_semaphore(%arg12 : memref<!tpu.dma_semaphore, #tpu.memory_space<semaphore_mem>>)
      %dma_wait3A_74 = arith.constant 0 : i32
      %dma_wait3A_75 = tpu.memref_slice %arg2[%add3A, %scan3A_65, %dma_wait3A_74] : memref<32x32x100000xf32, #tpu.memory_space<hbm>> -> memref<1x1x50048xf32, #tpu.memory_space<hbm>>
      %dma_wait3A_76 = tpu.memref_squeeze %dma_wait3A_75 : memref<1x1x50048xf32, #tpu.memory_space<hbm>> -> memref<50048xf32, #tpu.memory_space<hbm>>
      %dma_wait3A_77 = arith.constant 0 : i32
      %dma_wait3A_78 = tpu.memref_slice %arg2[%add3A, %scan3A_65, %dma_wait3A_77] : memref<32x32x100000xf32, #tpu.memory_space<hbm>> -> memref<1x1x50048xf32, #tpu.memory_space<hbm>>
      %dma_wait3A_79 = tpu.memref_squeeze %dma_wait3A_78 : memref<1x1x50048xf32, #tpu.memory_space<hbm>> -> memref<50048xf32, #tpu.memory_space<hbm>>
      tpu.wait_dma2 semaphore(%arg11 : memref<!tpu.dma_semaphore, #tpu.memory_space<semaphore_mem>>) src(%dma_wait3A_79 : memref<50048xf32, #tpu.memory_space<hbm>>) dst(%arg6 : memref<50048xf32, #tpu.memory_space<vmem>>)
      %dma_wait3A_80 = arith.constant 0 : i32
      %dma_wait3A_81 = tpu.memref_slice %arg5[%dma_wait3A_80] : memref<16384xi32, #tpu.memory_space<vmem_shared>> -> memref<4096xi32, #tpu.memory_space<vmem_shared>>
      %dma_wait3A_82 = arith.constant 0 : i32
      %dma_wait3A_83 = tpu.memref_slice %arg5[%dma_wait3A_82] : memref<16384xi32, #tpu.memory_space<vmem_shared>> -> memref<4096xi32, #tpu.memory_space<vmem_shared>>
      tpu.wait_dma2 semaphore(%arg13 : memref<!tpu.dma_semaphore, #tpu.memory_space<semaphore_mem>>) src(%dma_wait3A_83 : memref<4096xi32, #tpu.memory_space<vmem_shared>>) dst(%arg8 : memref<4096xi32, #tpu.memory_space<vmem>>)
      %dma_start3A_84 = arith.constant 4096 : i32
      %dma_start3A_85 = tpu.memref_slice %arg5[%dma_start3A_84] : memref<16384xi32, #tpu.memory_space<vmem_shared>> -> memref<4096xi32, #tpu.memory_space<vmem_shared>>
      %dma_start3A_86 = arith.constant 4096 : i32
      %dma_start3A_87 = tpu.memref_slice %arg5[%dma_start3A_86] : memref<16384xi32, #tpu.memory_space<vmem_shared>> -> memref<4096xi32, #tpu.memory_space<vmem_shared>>
      tpu.enqueue_dma source(%dma_start3A_87 : memref<4096xi32, #tpu.memory_space<vmem_shared>>) target(%arg9 : memref<4096xi32, #tpu.memory_space<vmem>>) target_semaphore(%arg14 : memref<!tpu.dma_semaphore, #tpu.memory_space<semaphore_mem>>)
      %gt3A = arith.constant 0 : i32
      %gt3A_88 = arith.cmpi sgt, %scan3A_65, %gt3A : i32
      %convert_element_type3A_89 = arith.extui %gt3A_88 : i1 to i32
      %cond3A_90 = arith.constant 0 : i32
      %cond3A_91 = arith.cmpi ne, %convert_element_type3A_89, %cond3A_90 : i32
      scf.if %cond3A_91 {
        %dma_wait3A_238 = arith.constant 0 : i32
        %dma_wait3A_239 = tpu.memref_slice %arg10[%dma_wait3A_238] : memref<16384xf32, #tpu.memory_space<vmem>> -> memref<4096xf32, #tpu.memory_space<vmem>>
        %dma_wait3A_240 = arith.constant 0 : i32
        %dma_wait3A_241 = tpu.memref_slice %arg4[%add3A, %scan3A_65, %dma_wait3A_240] : memref<32x32x16384xf32, #tpu.memory_space<hbm>> -> memref<1x1x4096xf32, #tpu.memory_space<hbm>>
        %dma_wait3A_242 = tpu.memref_squeeze %dma_wait3A_241 : memref<1x1x4096xf32, #tpu.memory_space<hbm>> -> memref<4096xf32, #tpu.memory_space<hbm>>
        %dma_wait3A_243 = arith.constant 0 : i32
        %dma_wait3A_244 = tpu.memref_slice %arg4[%add3A, %scan3A_65, %dma_wait3A_243] : memref<32x32x16384xf32, #tpu.memory_space<hbm>> -> memref<1x1x4096xf32, #tpu.memory_space<hbm>>
        %dma_wait3A_245 = tpu.memref_squeeze %dma_wait3A_244 : memref<1x1x4096xf32, #tpu.memory_space<hbm>> -> memref<4096xf32, #tpu.memory_space<hbm>>
        %dma_wait3A_246 = arith.constant 0 : i32
        %dma_wait3A_247 = tpu.memref_slice %arg10[%dma_wait3A_246] : memref<16384xf32, #tpu.memory_space<vmem>> -> memref<4096xf32, #tpu.memory_space<vmem>>
        tpu.wait_dma2 semaphore(%arg15 : memref<!tpu.dma_semaphore, #tpu.memory_space<semaphore_mem>>) src(%dma_wait3A_247 : memref<4096xf32, #tpu.memory_space<vmem>>) dst(%dma_wait3A_245 : memref<4096xf32, #tpu.memory_space<hbm>>)
      } else {
      }
      %parallel_loop3A = arith.constant 0 : i32
      %parallel_loop3A_92 = arith.constant 256 : i32
      %parallel_loop3A_93 = arith.constant 1 : i32
      scf.for %parallel_loop3A_238 = %parallel_loop3A to %parallel_loop3A_92 step %parallel_loop3A_93  : i32 {
        %parallel_loop3A_239 = arith.constant 16 : i32
        %parallel_loop3A_240 = arith.muli %parallel_loop3A_238, %parallel_loop3A_239 : i32
        %parallel_loop3A_241 = arith.index_cast %parallel_loop3A_240 : i32 to index
        %parallel_loop3A_242 = tpu.vector_load %arg8[%parallel_loop3A_241] {strides = array<i32>} : memref<4096xi32, #tpu.memory_space<vmem>>, vector<16xi32>,
        %parallel_loop3A_243 = arith.constant 50048 : i32
        %parallel_loop3A_244 = vector.broadcast %parallel_loop3A_243 : i32 to vector<16xi32>
        %parallel_loop3A_245 = arith.cmpi slt, %parallel_loop3A_242, %parallel_loop3A_244 : vector<16xi32>
        %parallel_loop3A_246 = tpu.vector_load_idx %arg6[%parallel_loop3A_242] masked %parallel_loop3A_245 : memref<50048xf32, #tpu.memory_space<vmem>>[vector<16xi32>], vector<16xf32>, vector<16xi1>
        %parallel_loop3A_247 = arith.constant 0 : i32
        %parallel_loop3A_248 = arith.addi %parallel_loop3A_247, %parallel_loop3A_240 : i32
        %parallel_loop3A_249 = vector.broadcast %parallel_loop3A_248 : i32 to vector<16xi32>
        %parallel_loop3A_250 = arith.addi %parallel_loop3A_249, %iota3A : vector<16xi32>
        %parallel_loop3A_251 = vector.broadcast %select_n3A : f32 to vector<16xf32>
        %parallel_loop3A_252 = arith.mulf %parallel_loop3A_246, %parallel_loop3A_251 : vector<16xf32>
        tpu.vector_store_idx %arg10[%parallel_loop3A_250], %parallel_loop3A_252 masked %parallel_loop3A_245 : memref<16384xf32, #tpu.memory_space<vmem>>[vector<16xi32>], vector<16xf32>, vector<16xi1>
      } {sc.loop_unroll_factor = 8 : i64, sc.parallel_access}
      %dma_wait3A_94 = arith.constant 4096 : i32
      %dma_wait3A_95 = tpu.memref_slice %arg5[%dma_wait3A_94] : memref<16384xi32, #tpu.memory_space<vmem_shared>> -> memref<4096xi32, #tpu.memory_space<vmem_shared>>
      %dma_wait3A_96 = arith.constant 4096 : i32
      %dma_wait3A_97 = tpu.memref_slice %arg5[%dma_wait3A_96] : memref<16384xi32, #tpu.memory_space<vmem_shared>> -> memref<4096xi32, #tpu.memory_space<vmem_shared>>
      tpu.wait_dma2 semaphore(%arg14 : memref<!tpu.dma_semaphore, #tpu.memory_space<semaphore_mem>>) src(%dma_wait3A_97 : memref<4096xi32, #tpu.memory_space<vmem_shared>>) dst(%arg9 : memref<4096xi32, #tpu.memory_space<vmem>>)
      %dma_start3A_98 = arith.constant 8192 : i32
      %dma_start3A_99 = tpu.memref_slice %arg5[%dma_start3A_98] : memref<16384xi32, #tpu.memory_space<vmem_shared>> -> memref<4096xi32, #tpu.memory_space<vmem_shared>>
      %dma_start3A_100 = arith.constant 8192 : i32
      %dma_start3A_101 = tpu.memref_slice %arg5[%dma_start3A_100] : memref<16384xi32, #tpu.memory_space<vmem_shared>> -> memref<4096xi32, #tpu.memory_space<vmem_shared>>
      tpu.enqueue_dma source(%dma_start3A_101 : memref<4096xi32, #tpu.memory_space<vmem_shared>>) target(%arg8 : memref<4096xi32, #tpu.memory_space<vmem>>) target_semaphore(%arg13 : memref<!tpu.dma_semaphore, #tpu.memory_space<semaphore_mem>>)
      %gt3A_102 = arith.constant 0 : i32
      %gt3A_103 = arith.cmpi sgt, %scan3A_65, %gt3A_102 : i32
      %convert_element_type3A_104 = arith.extui %gt3A_103 : i1 to i32
      %cond3A_105 = arith.constant 0 : i32
      %cond3A_106 = arith.cmpi ne, %convert_element_type3A_104, %cond3A_105 : i32
      scf.if %cond3A_106 {
        %dma_wait3A_238 = arith.constant 4096 : i32
        %dma_wait3A_239 = tpu.memref_slice %arg10[%dma_wait3A_238] : memref<16384xf32, #tpu.memory_space<vmem>> -> memref<4096xf32, #tpu.memory_space<vmem>>
        %dma_wait3A_240 = arith.constant 4096 : i32
        %dma_wait3A_241 = tpu.memref_slice %arg4[%add3A, %scan3A_65, %dma_wait3A_240] : memref<32x32x16384xf32, #tpu.memory_space<hbm>> -> memref<1x1x4096xf32, #tpu.memory_space<hbm>>
        %dma_wait3A_242 = tpu.memref_squeeze %dma_wait3A_241 : memref<1x1x4096xf32, #tpu.memory_space<hbm>> -> memref<4096xf32, #tpu.memory_space<hbm>>
        %dma_wait3A_243 = arith.constant 4096 : i32
        %dma_wait3A_244 = tpu.memref_slice %arg4[%add3A, %scan3A_65, %dma_wait3A_243] : memref<32x32x16384xf32, #tpu.memory_space<hbm>> -> memref<1x1x4096xf32, #tpu.memory_space<hbm>>
        %dma_wait3A_245 = tpu.memref_squeeze %dma_wait3A_244 : memref<1x1x4096xf32, #tpu.memory_space<hbm>> -> memref<4096xf32, #tpu.memory_space<hbm>>
        %dma_wait3A_246 = arith.constant 4096 : i32
        %dma_wait3A_247 = tpu.memref_slice %arg10[%dma_wait3A_246] : memref<16384xf32, #tpu.memory_space<vmem>> -> memref<4096xf32, #tpu.memory_space<vmem>>
        tpu.wait_dma2 semaphore(%arg16 : memref<!tpu.dma_semaphore, #tpu.memory_space<semaphore_mem>>) src(%dma_wait3A_247 : memref<4096xf32, #tpu.memory_space<vmem>>) dst(%dma_wait3A_245 : memref<4096xf32, #tpu.memory_space<hbm>>)
      } else {
      }
      %parallel_loop3A_107 = arith.constant 0 : i32
      %parallel_loop3A_108 = arith.constant 256 : i32
      %parallel_loop3A_109 = arith.constant 1 : i32
      scf.for %parallel_loop3A_238 = %parallel_loop3A_107 to %parallel_loop3A_108 step %parallel_loop3A_109  : i32 {
        %parallel_loop3A_239 = arith.constant 16 : i32
        %parallel_loop3A_240 = arith.muli %parallel_loop3A_238, %parallel_loop3A_239 : i32
        %parallel_loop3A_241 = arith.index_cast %parallel_loop3A_240 : i32 to index
        %parallel_loop3A_242 = tpu.vector_load %arg9[%parallel_loop3A_241] {strides = array<i32>} : memref<4096xi32, #tpu.memory_space<vmem>>, vector<16xi32>,
        %parallel_loop3A_243 = arith.constant 50048 : i32
        %parallel_loop3A_244 = vector.broadcast %parallel_loop3A_243 : i32 to vector<16xi32>
        %parallel_loop3A_245 = arith.cmpi slt, %parallel_loop3A_242, %parallel_loop3A_244 : vector<16xi32>
        %parallel_loop3A_246 = tpu.vector_load_idx %arg6[%parallel_loop3A_242] masked %parallel_loop3A_245 : memref<50048xf32, #tpu.memory_space<vmem>>[vector<16xi32>], vector<16xf32>, vector<16xi1>
        %parallel_loop3A_247 = arith.constant 4096 : i32
        %parallel_loop3A_248 = arith.addi %parallel_loop3A_247, %parallel_loop3A_240 : i32
        %parallel_loop3A_249 = vector.broadcast %parallel_loop3A_248 : i32 to vector<16xi32>
        %parallel_loop3A_250 = arith.addi %parallel_loop3A_249, %iota3A : vector<16xi32>
        %parallel_loop3A_251 = vector.broadcast %select_n3A : f32 to vector<16xf32>
        %parallel_loop3A_252 = arith.mulf %parallel_loop3A_246, %parallel_loop3A_251 : vector<16xf32>
        tpu.vector_store_idx %arg10[%parallel_loop3A_250], %parallel_loop3A_252 masked %parallel_loop3A_245 : memref<16384xf32, #tpu.memory_space<vmem>>[vector<16xi32>], vector<16xf32>, vector<16xi1>
      } {sc.loop_unroll_factor = 8 : i64, sc.parallel_access}
      %dma_wait3A_110 = arith.constant 8192 : i32
      %dma_wait3A_111 = tpu.memref_slice %arg5[%dma_wait3A_110] : memref<16384xi32, #tpu.memory_space<vmem_shared>> -> memref<4096xi32, #tpu.memory_space<vmem_shared>>
      %dma_wait3A_112 = arith.constant 8192 : i32
      %dma_wait3A_113 = tpu.memref_slice %arg5[%dma_wait3A_112] : memref<16384xi32, #tpu.memory_space<vmem_shared>> -> memref<4096xi32, #tpu.memory_space<vmem_shared>>
      tpu.wait_dma2 semaphore(%arg13 : memref<!tpu.dma_semaphore, #tpu.memory_space<semaphore_mem>>) src(%dma_wait3A_113 : memref<4096xi32, #tpu.memory_space<vmem_shared>>) dst(%arg8 : memref<4096xi32, #tpu.memory_space<vmem>>)
      %dma_start3A_114 = arith.constant 12288 : i32
      %dma_start3A_115 = tpu.memref_slice %arg5[%dma_start3A_114] : memref<16384xi32, #tpu.memory_space<vmem_shared>> -> memref<4096xi32, #tpu.memory_space<vmem_shared>>
      %dma_start3A_116 = arith.constant 12288 : i32
      %dma_start3A_117 = tpu.memref_slice %arg5[%dma_start3A_116] : memref<16384xi32, #tpu.memory_space<vmem_shared>> -> memref<4096xi32, #tpu.memory_space<vmem_shared>>
      tpu.enqueue_dma source(%dma_start3A_117 : memref<4096xi32, #tpu.memory_space<vmem_shared>>) target(%arg9 : memref<4096xi32, #tpu.memory_space<vmem>>) target_semaphore(%arg14 : memref<!tpu.dma_semaphore, #tpu.memory_space<semaphore_mem>>)
      %gt3A_118 = arith.constant 0 : i32
      %gt3A_119 = arith.cmpi sgt, %scan3A_65, %gt3A_118 : i32
      %convert_element_type3A_120 = arith.extui %gt3A_119 : i1 to i32
      %cond3A_121 = arith.constant 0 : i32
      %cond3A_122 = arith.cmpi ne, %convert_element_type3A_120, %cond3A_121 : i32
      scf.if %cond3A_122 {
        %dma_wait3A_238 = arith.constant 8192 : i32
        %dma_wait3A_239 = tpu.memref_slice %arg10[%dma_wait3A_238] : memref<16384xf32, #tpu.memory_space<vmem>> -> memref<4096xf32, #tpu.memory_space<vmem>>
        %dma_wait3A_240 = arith.constant 8192 : i32
        %dma_wait3A_241 = tpu.memref_slice %arg4[%add3A, %scan3A_65, %dma_wait3A_240] : memref<32x32x16384xf32, #tpu.memory_space<hbm>> -> memref<1x1x4096xf32, #tpu.memory_space<hbm>>
        %dma_wait3A_242 = tpu.memref_squeeze %dma_wait3A_241 : memref<1x1x4096xf32, #tpu.memory_space<hbm>> -> memref<4096xf32, #tpu.memory_space<hbm>>
        %dma_wait3A_243 = arith.constant 8192 : i32
        %dma_wait3A_244 = tpu.memref_slice %arg4[%add3A, %scan3A_65, %dma_wait3A_243] : memref<32x32x16384xf32, #tpu.memory_space<hbm>> -> memref<1x1x4096xf32, #tpu.memory_space<hbm>>
        %dma_wait3A_245 = tpu.memref_squeeze %dma_wait3A_244 : memref<1x1x4096xf32, #tpu.memory_space<hbm>> -> memref<4096xf32, #tpu.memory_space<hbm>>
        %dma_wait3A_246 = arith.constant 8192 : i32
        %dma_wait3A_247 = tpu.memref_slice %arg10[%dma_wait3A_246] : memref<16384xf32, #tpu.memory_space<vmem>> -> memref<4096xf32, #tpu.memory_space<vmem>>
        tpu.wait_dma2 semaphore(%arg17 : memref<!tpu.dma_semaphore, #tpu.memory_space<semaphore_mem>>) src(%dma_wait3A_247 : memref<4096xf32, #tpu.memory_space<vmem>>) dst(%dma_wait3A_245 : memref<4096xf32, #tpu.memory_space<hbm>>)
      } else {
      }
      %parallel_loop3A_123 = arith.constant 0 : i32
      %parallel_loop3A_124 = arith.constant 256 : i32
      %parallel_loop3A_125 = arith.constant 1 : i32
      scf.for %parallel_loop3A_238 = %parallel_loop3A_123 to %parallel_loop3A_124 step %parallel_loop3A_125  : i32 {
        %parallel_loop3A_239 = arith.constant 16 : i32
        %parallel_loop3A_240 = arith.muli %parallel_loop3A_238, %parallel_loop3A_239 : i32
        %parallel_loop3A_241 = arith.index_cast %parallel_loop3A_240 : i32 to index
        %parallel_loop3A_242 = tpu.vector_load %arg8[%parallel_loop3A_241] {strides = array<i32>} : memref<4096xi32, #tpu.memory_space<vmem>>, vector<16xi32>,
        %parallel_loop3A_243 = arith.constant 50048 : i32
        %parallel_loop3A_244 = vector.broadcast %parallel_loop3A_243 : i32 to vector<16xi32>
        %parallel_loop3A_245 = arith.cmpi slt, %parallel_loop3A_242, %parallel_loop3A_244 : vector<16xi32>
        %parallel_loop3A_246 = tpu.vector_load_idx %arg6[%parallel_loop3A_242] masked %parallel_loop3A_245 : memref<50048xf32, #tpu.memory_space<vmem>>[vector<16xi32>], vector<16xf32>, vector<16xi1>
        %parallel_loop3A_247 = arith.constant 8192 : i32
        %parallel_loop3A_248 = arith.addi %parallel_loop3A_247, %parallel_loop3A_240 : i32
        %parallel_loop3A_249 = vector.broadcast %parallel_loop3A_248 : i32 to vector<16xi32>
        %parallel_loop3A_250 = arith.addi %parallel_loop3A_249, %iota3A : vector<16xi32>
        %parallel_loop3A_251 = vector.broadcast %select_n3A : f32 to vector<16xf32>
        %parallel_loop3A_252 = arith.mulf %parallel_loop3A_246, %parallel_loop3A_251 : vector<16xf32>
        tpu.vector_store_idx %arg10[%parallel_loop3A_250], %parallel_loop3A_252 masked %parallel_loop3A_245 : memref<16384xf32, #tpu.memory_space<vmem>>[vector<16xi32>], vector<16xf32>, vector<16xi1>
      } {sc.loop_unroll_factor = 8 : i64, sc.parallel_access}
      %dma_wait3A_126 = arith.constant 12288 : i32
      %dma_wait3A_127 = tpu.memref_slice %arg5[%dma_wait3A_126] : memref<16384xi32, #tpu.memory_space<vmem_shared>> -> memref<4096xi32, #tpu.memory_space<vmem_shared>>
      %dma_wait3A_128 = arith.constant 12288 : i32
      %dma_wait3A_129 = tpu.memref_slice %arg5[%dma_wait3A_128] : memref<16384xi32, #tpu.memory_space<vmem_shared>> -> memref<4096xi32, #tpu.memory_space<vmem_shared>>
      tpu.wait_dma2 semaphore(%arg14 : memref<!tpu.dma_semaphore, #tpu.memory_space<semaphore_mem>>) src(%dma_wait3A_129 : memref<4096xi32, #tpu.memory_space<vmem_shared>>) dst(%arg9 : memref<4096xi32, #tpu.memory_space<vmem>>)
      %dma_start3A_130 = arith.constant 0 : i32
      %dma_start3A_131 = tpu.memref_slice %arg5[%dma_start3A_130] : memref<16384xi32, #tpu.memory_space<vmem_shared>> -> memref<4096xi32, #tpu.memory_space<vmem_shared>>
      %dma_start3A_132 = arith.constant 0 : i32
      %dma_start3A_133 = tpu.memref_slice %arg5[%dma_start3A_132] : memref<16384xi32, #tpu.memory_space<vmem_shared>> -> memref<4096xi32, #tpu.memory_space<vmem_shared>>
      tpu.enqueue_dma source(%dma_start3A_133 : memref<4096xi32, #tpu.memory_space<vmem_shared>>) target(%arg8 : memref<4096xi32, #tpu.memory_space<vmem>>) target_semaphore(%arg13 : memref<!tpu.dma_semaphore, #tpu.memory_space<semaphore_mem>>)
      %gt3A_134 = arith.constant 0 : i32
      %gt3A_135 = arith.cmpi sgt, %scan3A_65, %gt3A_134 : i32
      %convert_element_type3A_136 = arith.extui %gt3A_135 : i1 to i32
      %cond3A_137 = arith.constant 0 : i32
      %cond3A_138 = arith.cmpi ne, %convert_element_type3A_136, %cond3A_137 : i32
      scf.if %cond3A_138 {
        %dma_wait3A_238 = arith.constant 12288 : i32
        %dma_wait3A_239 = tpu.memref_slice %arg10[%dma_wait3A_238] : memref<16384xf32, #tpu.memory_space<vmem>> -> memref<4096xf32, #tpu.memory_space<vmem>>
        %dma_wait3A_240 = arith.constant 12288 : i32
        %dma_wait3A_241 = tpu.memref_slice %arg4[%add3A, %scan3A_65, %dma_wait3A_240] : memref<32x32x16384xf32, #tpu.memory_space<hbm>> -> memref<1x1x4096xf32, #tpu.memory_space<hbm>>
        %dma_wait3A_242 = tpu.memref_squeeze %dma_wait3A_241 : memref<1x1x4096xf32, #tpu.memory_space<hbm>> -> memref<4096xf32, #tpu.memory_space<hbm>>
        %dma_wait3A_243 = arith.constant 12288 : i32
        %dma_wait3A_244 = tpu.memref_slice %arg4[%add3A, %scan3A_65, %dma_wait3A_243] : memref<32x32x16384xf32, #tpu.memory_space<hbm>> -> memref<1x1x4096xf32, #tpu.memory_space<hbm>>
        %dma_wait3A_245 = tpu.memref_squeeze %dma_wait3A_244 : memref<1x1x4096xf32, #tpu.memory_space<hbm>> -> memref<4096xf32, #tpu.memory_space<hbm>>
        %dma_wait3A_246 = arith.constant 12288 : i32
        %dma_wait3A_247 = tpu.memref_slice %arg10[%dma_wait3A_246] : memref<16384xf32, #tpu.memory_space<vmem>> -> memref<4096xf32, #tpu.memory_space<vmem>>
        tpu.wait_dma2 semaphore(%arg18 : memref<!tpu.dma_semaphore, #tpu.memory_space<semaphore_mem>>) src(%dma_wait3A_247 : memref<4096xf32, #tpu.memory_space<vmem>>) dst(%dma_wait3A_245 : memref<4096xf32, #tpu.memory_space<hbm>>)
      } else {
      }
      %parallel_loop3A_139 = arith.constant 0 : i32
      %parallel_loop3A_140 = arith.constant 256 : i32
      %parallel_loop3A_141 = arith.constant 1 : i32
      scf.for %parallel_loop3A_238 = %parallel_loop3A_139 to %parallel_loop3A_140 step %parallel_loop3A_141  : i32 {
        %parallel_loop3A_239 = arith.constant 16 : i32
        %parallel_loop3A_240 = arith.muli %parallel_loop3A_238, %parallel_loop3A_239 : i32
        %parallel_loop3A_241 = arith.index_cast %parallel_loop3A_240 : i32 to index
        %parallel_loop3A_242 = tpu.vector_load %arg9[%parallel_loop3A_241] {strides = array<i32>} : memref<4096xi32, #tpu.memory_space<vmem>>, vector<16xi32>,
        %parallel_loop3A_243 = arith.constant 50048 : i32
        %parallel_loop3A_244 = vector.broadcast %parallel_loop3A_243 : i32 to vector<16xi32>
        %parallel_loop3A_245 = arith.cmpi slt, %parallel_loop3A_242, %parallel_loop3A_244 : vector<16xi32>
        %parallel_loop3A_246 = tpu.vector_load_idx %arg6[%parallel_loop3A_242] masked %parallel_loop3A_245 : memref<50048xf32, #tpu.memory_space<vmem>>[vector<16xi32>], vector<16xf32>, vector<16xi1>
        %parallel_loop3A_247 = arith.constant 12288 : i32
        %parallel_loop3A_248 = arith.addi %parallel_loop3A_247, %parallel_loop3A_240 : i32
        %parallel_loop3A_249 = vector.broadcast %parallel_loop3A_248 : i32 to vector<16xi32>
        %parallel_loop3A_250 = arith.addi %parallel_loop3A_249, %iota3A : vector<16xi32>
        %parallel_loop3A_251 = vector.broadcast %select_n3A : f32 to vector<16xf32>
        %parallel_loop3A_252 = arith.mulf %parallel_loop3A_246, %parallel_loop3A_251 : vector<16xf32>
        tpu.vector_store_idx %arg10[%parallel_loop3A_250], %parallel_loop3A_252 masked %parallel_loop3A_245 : memref<16384xf32, #tpu.memory_space<vmem>>[vector<16xi32>], vector<16xf32>, vector<16xi1>
      } {sc.loop_unroll_factor = 8 : i64, sc.parallel_access}
      %add3A_142 = arith.constant 1 : i32
      %add3A_143 = arith.addi %scan3A_65, %add3A_142 : i32
      %lt3A = arith.constant 32 : i32
      %lt3A_144 = arith.cmpi slt, %add3A_143, %lt3A : i32
      %convert_element_type3A_145 = arith.extui %lt3A_144 : i1 to i32
      %cond3A_146 = arith.constant 0 : i32
      %cond3A_147 = arith.cmpi ne, %convert_element_type3A_145, %cond3A_146 : i32
      scf.if %cond3A_147 {
        %add3A_238 = arith.constant 1 : i32
        %add3A_239 = arith.addi %scan3A_65, %add3A_238 : i32
        %dma_start3A_240 = arith.constant 0 : i32
        %dma_start3A_241 = tpu.memref_slice %arg2[%add3A, %add3A_239, %dma_start3A_240] : memref<32x32x100000xf32, #tpu.memory_space<hbm>> -> memref<1x1x50048xf32, #tpu.memory_space<hbm>>
        %dma_start3A_242 = tpu.memref_squeeze %dma_start3A_241 : memref<1x1x50048xf32, #tpu.memory_space<hbm>> -> memref<50048xf32, #tpu.memory_space<hbm>>
        %dma_start3A_243 = arith.constant 0 : i32
        %dma_start3A_244 = tpu.memref_slice %arg2[%add3A, %add3A_239, %dma_start3A_243] : memref<32x32x100000xf32, #tpu.memory_space<hbm>> -> memref<1x1x50048xf32, #tpu.memory_space<hbm>>
        %dma_start3A_245 = tpu.memref_squeeze %dma_start3A_244 : memref<1x1x50048xf32, #tpu.memory_space<hbm>> -> memref<50048xf32, #tpu.memory_space<hbm>>
        tpu.enqueue_dma source(%dma_start3A_245 : memref<50048xf32, #tpu.memory_space<hbm>>) target(%arg6 : memref<50048xf32, #tpu.memory_space<vmem>>) target_semaphore(%arg11 : memref<!tpu.dma_semaphore, #tpu.memory_space<semaphore_mem>>)
      } else {
      }
      %dma_wait3A_148 = arith.constant 50048 : i32
      %dma_wait3A_149 = tpu.memref_slice %arg2[%add3A, %scan3A_65, %dma_wait3A_148] : memref<32x32x100000xf32, #tpu.memory_space<hbm>> -> memref<1x1x49952xf32, #tpu.memory_space<hbm>>
      %dma_wait3A_150 = tpu.memref_squeeze %dma_wait3A_149 : memref<1x1x49952xf32, #tpu.memory_space<hbm>> -> memref<49952xf32, #tpu.memory_space<hbm>>
      %dma_wait3A_151 = arith.constant 50048 : i32
      %dma_wait3A_152 = tpu.memref_slice %arg2[%add3A, %scan3A_65, %dma_wait3A_151] : memref<32x32x100000xf32, #tpu.memory_space<hbm>> -> memref<1x1x49952xf32, #tpu.memory_space<hbm>>
      %dma_wait3A_153 = tpu.memref_squeeze %dma_wait3A_152 : memref<1x1x49952xf32, #tpu.memory_space<hbm>> -> memref<49952xf32, #tpu.memory_space<hbm>>
      tpu.wait_dma2 semaphore(%arg12 : memref<!tpu.dma_semaphore, #tpu.memory_space<semaphore_mem>>) src(%dma_wait3A_153 : memref<49952xf32, #tpu.memory_space<hbm>>) dst(%arg7 : memref<49952xf32, #tpu.memory_space<vmem>>)
      %dma_wait3A_154 = arith.constant 0 : i32
      %dma_wait3A_155 = tpu.memref_slice %arg5[%dma_wait3A_154] : memref<16384xi32, #tpu.memory_space<vmem_shared>> -> memref<4096xi32, #tpu.memory_space<vmem_shared>>
      %dma_wait3A_156 = arith.constant 0 : i32
      %dma_wait3A_157 = tpu.memref_slice %arg5[%dma_wait3A_156] : memref<16384xi32, #tpu.memory_space<vmem_shared>> -> memref<4096xi32, #tpu.memory_space<vmem_shared>>
      tpu.wait_dma2 semaphore(%arg13 : memref<!tpu.dma_semaphore, #tpu.memory_space<semaphore_mem>>) src(%dma_wait3A_157 : memref<4096xi32, #tpu.memory_space<vmem_shared>>) dst(%arg8 : memref<4096xi32, #tpu.memory_space<vmem>>)
      %dma_start3A_158 = arith.constant 4096 : i32
      %dma_start3A_159 = tpu.memref_slice %arg5[%dma_start3A_158] : memref<16384xi32, #tpu.memory_space<vmem_shared>> -> memref<4096xi32, #tpu.memory_space<vmem_shared>>
      %dma_start3A_160 = arith.constant 4096 : i32
      %dma_start3A_161 = tpu.memref_slice %arg5[%dma_start3A_160] : memref<16384xi32, #tpu.memory_space<vmem_shared>> -> memref<4096xi32, #tpu.memory_space<vmem_shared>>
      tpu.enqueue_dma source(%dma_start3A_161 : memref<4096xi32, #tpu.memory_space<vmem_shared>>) target(%arg9 : memref<4096xi32, #tpu.memory_space<vmem>>) target_semaphore(%arg14 : memref<!tpu.dma_semaphore, #tpu.memory_space<semaphore_mem>>)
      %parallel_loop3A_162 = arith.constant 0 : i32
      %parallel_loop3A_163 = arith.constant 256 : i32
      %parallel_loop3A_164 = arith.constant 1 : i32
      scf.for %parallel_loop3A_238 = %parallel_loop3A_162 to %parallel_loop3A_163 step %parallel_loop3A_164  : i32 {
        %parallel_loop3A_239 = arith.constant 16 : i32
        %parallel_loop3A_240 = arith.muli %parallel_loop3A_238, %parallel_loop3A_239 : i32
        %parallel_loop3A_241 = arith.index_cast %parallel_loop3A_240 : i32 to index
        %parallel_loop3A_242 = tpu.vector_load %arg8[%parallel_loop3A_241] {strides = array<i32>} : memref<4096xi32, #tpu.memory_space<vmem>>, vector<16xi32>,
        %parallel_loop3A_243 = arith.constant 50048 : i32
        %parallel_loop3A_244 = vector.broadcast %parallel_loop3A_243 : i32 to vector<16xi32>
        %parallel_loop3A_245 = arith.cmpi sge, %parallel_loop3A_242, %parallel_loop3A_244 : vector<16xi32>
        %parallel_loop3A_246 = arith.constant 50048 : i32
        %parallel_loop3A_247 = vector.broadcast %parallel_loop3A_246 : i32 to vector<16xi32>
        %parallel_loop3A_248 = arith.subi %parallel_loop3A_242, %parallel_loop3A_247 : vector<16xi32>
        %parallel_loop3A_249 = tpu.vector_load_idx %arg7[%parallel_loop3A_248] masked %parallel_loop3A_245 : memref<49952xf32, #tpu.memory_space<vmem>>[vector<16xi32>], vector<16xf32>, vector<16xi1>
        %parallel_loop3A_250 = arith.constant 0 : i32
        %parallel_loop3A_251 = arith.addi %parallel_loop3A_250, %parallel_loop3A_240 : i32
        %parallel_loop3A_252 = vector.broadcast %parallel_loop3A_251 : i32 to vector<16xi32>
        %parallel_loop3A_253 = arith.addi %parallel_loop3A_252, %iota3A : vector<16xi32>
        %parallel_loop3A_254 = vector.broadcast %select_n3A : f32 to vector<16xf32>
        %parallel_loop3A_255 = arith.mulf %parallel_loop3A_249, %parallel_loop3A_254 : vector<16xf32>
        tpu.vector_store_idx %arg10[%parallel_loop3A_253], %parallel_loop3A_255 masked %parallel_loop3A_245 : memref<16384xf32, #tpu.memory_space<vmem>>[vector<16xi32>], vector<16xf32>, vector<16xi1>
      } {sc.loop_unroll_factor = 8 : i64, sc.parallel_access}
      %dma_start3A_165 = arith.constant 0 : i32
      %dma_start3A_166 = tpu.memref_slice %arg10[%dma_start3A_165] : memref<16384xf32, #tpu.memory_space<vmem>> -> memref<4096xf32, #tpu.memory_space<vmem>>
      %dma_start3A_167 = arith.constant 0 : i32
      %dma_start3A_168 = tpu.memref_slice %arg4[%add3A, %scan3A_65, %dma_start3A_167] : memref<32x32x16384xf32, #tpu.memory_space<hbm>> -> memref<1x1x4096xf32, #tpu.memory_space<hbm>>
      %dma_start3A_169 = tpu.memref_squeeze %dma_start3A_168 : memref<1x1x4096xf32, #tpu.memory_space<hbm>> -> memref<4096xf32, #tpu.memory_space<hbm>>
      %dma_start3A_170 = arith.constant 0 : i32
      %dma_start3A_171 = tpu.memref_slice %arg4[%add3A, %scan3A_65, %dma_start3A_170] : memref<32x32x16384xf32, #tpu.memory_space<hbm>> -> memref<1x1x4096xf32, #tpu.memory_space<hbm>>
      %dma_start3A_172 = tpu.memref_squeeze %dma_start3A_171 : memref<1x1x4096xf32, #tpu.memory_space<hbm>> -> memref<4096xf32, #tpu.memory_space<hbm>>
      %dma_start3A_173 = arith.constant 0 : i32
      %dma_start3A_174 = tpu.memref_slice %arg10[%dma_start3A_173] : memref<16384xf32, #tpu.memory_space<vmem>> -> memref<4096xf32, #tpu.memory_space<vmem>>
      tpu.enqueue_dma source(%dma_start3A_174 : memref<4096xf32, #tpu.memory_space<vmem>>) target(%dma_start3A_172 : memref<4096xf32, #tpu.memory_space<hbm>>) target_semaphore(%arg15 : memref<!tpu.dma_semaphore, #tpu.memory_space<semaphore_mem>>)
      %dma_wait3A_175 = arith.constant 4096 : i32
      %dma_wait3A_176 = tpu.memref_slice %arg5[%dma_wait3A_175] : memref<16384xi32, #tpu.memory_space<vmem_shared>> -> memref<4096xi32, #tpu.memory_space<vmem_shared>>
      %dma_wait3A_177 = arith.constant 4096 : i32
      %dma_wait3A_178 = tpu.memref_slice %arg5[%dma_wait3A_177] : memref<16384xi32, #tpu.memory_space<vmem_shared>> -> memref<4096xi32, #tpu.memory_space<vmem_shared>>
      tpu.wait_dma2 semaphore(%arg14 : memref<!tpu.dma_semaphore, #tpu.memory_space<semaphore_mem>>) src(%dma_wait3A_178 : memref<4096xi32, #tpu.memory_space<vmem_shared>>) dst(%arg9 : memref<4096xi32, #tpu.memory_space<vmem>>)
      %dma_start3A_179 = arith.constant 8192 : i32
      %dma_start3A_180 = tpu.memref_slice %arg5[%dma_start3A_179] : memref<16384xi32, #tpu.memory_space<vmem_shared>> -> memref<4096xi32, #tpu.memory_space<vmem_shared>>
      %dma_start3A_181 = arith.constant 8192 : i32
      %dma_start3A_182 = tpu.memref_slice %arg5[%dma_start3A_181] : memref<16384xi32, #tpu.memory_space<vmem_shared>> -> memref<4096xi32, #tpu.memory_space<vmem_shared>>
      tpu.enqueue_dma source(%dma_start3A_182 : memref<4096xi32, #tpu.memory_space<vmem_shared>>) target(%arg8 : memref<4096xi32, #tpu.memory_space<vmem>>) target_semaphore(%arg13 : memref<!tpu.dma_semaphore, #tpu.memory_space<semaphore_mem>>)
      %parallel_loop3A_183 = arith.constant 0 : i32
      %parallel_loop3A_184 = arith.constant 256 : i32
      %parallel_loop3A_185 = arith.constant 1 : i32
      scf.for %parallel_loop3A_238 = %parallel_loop3A_183 to %parallel_loop3A_184 step %parallel_loop3A_185  : i32 {
        %parallel_loop3A_239 = arith.constant 16 : i32
        %parallel_loop3A_240 = arith.muli %parallel_loop3A_238, %parallel_loop3A_239 : i32
        %parallel_loop3A_241 = arith.index_cast %parallel_loop3A_240 : i32 to index
        %parallel_loop3A_242 = tpu.vector_load %arg9[%parallel_loop3A_241] {strides = array<i32>} : memref<4096xi32, #tpu.memory_space<vmem>>, vector<16xi32>,
        %parallel_loop3A_243 = arith.constant 50048 : i32
        %parallel_loop3A_244 = vector.broadcast %parallel_loop3A_243 : i32 to vector<16xi32>
        %parallel_loop3A_245 = arith.cmpi sge, %parallel_loop3A_242, %parallel_loop3A_244 : vector<16xi32>
        %parallel_loop3A_246 = arith.constant 50048 : i32
        %parallel_loop3A_247 = vector.broadcast %parallel_loop3A_246 : i32 to vector<16xi32>
        %parallel_loop3A_248 = arith.subi %parallel_loop3A_242, %parallel_loop3A_247 : vector<16xi32>
        %parallel_loop3A_249 = tpu.vector_load_idx %arg7[%parallel_loop3A_248] masked %parallel_loop3A_245 : memref<49952xf32, #tpu.memory_space<vmem>>[vector<16xi32>], vector<16xf32>, vector<16xi1>
        %parallel_loop3A_250 = arith.constant 4096 : i32
        %parallel_loop3A_251 = arith.addi %parallel_loop3A_250, %parallel_loop3A_240 : i32
        %parallel_loop3A_252 = vector.broadcast %parallel_loop3A_251 : i32 to vector<16xi32>
        %parallel_loop3A_253 = arith.addi %parallel_loop3A_252, %iota3A : vector<16xi32>
        %parallel_loop3A_254 = vector.broadcast %select_n3A : f32 to vector<16xf32>
        %parallel_loop3A_255 = arith.mulf %parallel_loop3A_249, %parallel_loop3A_254 : vector<16xf32>
        tpu.vector_store_idx %arg10[%parallel_loop3A_253], %parallel_loop3A_255 masked %parallel_loop3A_245 : memref<16384xf32, #tpu.memory_space<vmem>>[vector<16xi32>], vector<16xf32>, vector<16xi1>
      } {sc.loop_unroll_factor = 8 : i64, sc.parallel_access}
      %dma_start3A_186 = arith.constant 4096 : i32
      %dma_start3A_187 = tpu.memref_slice %arg10[%dma_start3A_186] : memref<16384xf32, #tpu.memory_space<vmem>> -> memref<4096xf32, #tpu.memory_space<vmem>>
      %dma_start3A_188 = arith.constant 4096 : i32
      %dma_start3A_189 = tpu.memref_slice %arg4[%add3A, %scan3A_65, %dma_start3A_188] : memref<32x32x16384xf32, #tpu.memory_space<hbm>> -> memref<1x1x4096xf32, #tpu.memory_space<hbm>>
      %dma_start3A_190 = tpu.memref_squeeze %dma_start3A_189 : memref<1x1x4096xf32, #tpu.memory_space<hbm>> -> memref<4096xf32, #tpu.memory_space<hbm>>
      %dma_start3A_191 = arith.constant 4096 : i32
      %dma_start3A_192 = tpu.memref_slice %arg4[%add3A, %scan3A_65, %dma_start3A_191] : memref<32x32x16384xf32, #tpu.memory_space<hbm>> -> memref<1x1x4096xf32, #tpu.memory_space<hbm>>
      %dma_start3A_193 = tpu.memref_squeeze %dma_start3A_192 : memref<1x1x4096xf32, #tpu.memory_space<hbm>> -> memref<4096xf32, #tpu.memory_space<hbm>>
      %dma_start3A_194 = arith.constant 4096 : i32
      %dma_start3A_195 = tpu.memref_slice %arg10[%dma_start3A_194] : memref<16384xf32, #tpu.memory_space<vmem>> -> memref<4096xf32, #tpu.memory_space<vmem>>
      tpu.enqueue_dma source(%dma_start3A_195 : memref<4096xf32, #tpu.memory_space<vmem>>) target(%dma_start3A_193 : memref<4096xf32, #tpu.memory_space<hbm>>) target_semaphore(%arg16 : memref<!tpu.dma_semaphore, #tpu.memory_space<semaphore_mem>>)
      %dma_wait3A_196 = arith.constant 8192 : i32
      %dma_wait3A_197 = tpu.memref_slice %arg5[%dma_wait3A_196] : memref<16384xi32, #tpu.memory_space<vmem_shared>> -> memref<4096xi32, #tpu.memory_space<vmem_shared>>
      %dma_wait3A_198 = arith.constant 8192 : i32
      %dma_wait3A_199 = tpu.memref_slice %arg5[%dma_wait3A_198] : memref<16384xi32, #tpu.memory_space<vmem_shared>> -> memref<4096xi32, #tpu.memory_space<vmem_shared>>
      tpu.wait_dma2 semaphore(%arg13 : memref<!tpu.dma_semaphore, #tpu.memory_space<semaphore_mem>>) src(%dma_wait3A_199 : memref<4096xi32, #tpu.memory_space<vmem_shared>>) dst(%arg8 : memref<4096xi32, #tpu.memory_space<vmem>>)
      %dma_start3A_200 = arith.constant 12288 : i32
      %dma_start3A_201 = tpu.memref_slice %arg5[%dma_start3A_200] : memref<16384xi32, #tpu.memory_space<vmem_shared>> -> memref<4096xi32, #tpu.memory_space<vmem_shared>>
      %dma_start3A_202 = arith.constant 12288 : i32
      %dma_start3A_203 = tpu.memref_slice %arg5[%dma_start3A_202] : memref<16384xi32, #tpu.memory_space<vmem_shared>> -> memref<4096xi32, #tpu.memory_space<vmem_shared>>
      tpu.enqueue_dma source(%dma_start3A_203 : memref<4096xi32, #tpu.memory_space<vmem_shared>>) target(%arg9 : memref<4096xi32, #tpu.memory_space<vmem>>) target_semaphore(%arg14 : memref<!tpu.dma_semaphore, #tpu.memory_space<semaphore_mem>>)
      %parallel_loop3A_204 = arith.constant 0 : i32
      %parallel_loop3A_205 = arith.constant 256 : i32
      %parallel_loop3A_206 = arith.constant 1 : i32
      scf.for %parallel_loop3A_238 = %parallel_loop3A_204 to %parallel_loop3A_205 step %parallel_loop3A_206  : i32 {
        %parallel_loop3A_239 = arith.constant 16 : i32
        %parallel_loop3A_240 = arith.muli %parallel_loop3A_238, %parallel_loop3A_239 : i32
        %parallel_loop3A_241 = arith.index_cast %parallel_loop3A_240 : i32 to index
        %parallel_loop3A_242 = tpu.vector_load %arg8[%parallel_loop3A_241] {strides = array<i32>} : memref<4096xi32, #tpu.memory_space<vmem>>, vector<16xi32>,
        %parallel_loop3A_243 = arith.constant 50048 : i32
        %parallel_loop3A_244 = vector.broadcast %parallel_loop3A_243 : i32 to vector<16xi32>
        %parallel_loop3A_245 = arith.cmpi sge, %parallel_loop3A_242, %parallel_loop3A_244 : vector<16xi32>
        %parallel_loop3A_246 = arith.constant 50048 : i32
        %parallel_loop3A_247 = vector.broadcast %parallel_loop3A_246 : i32 to vector<16xi32>
        %parallel_loop3A_248 = arith.subi %parallel_loop3A_242, %parallel_loop3A_247 : vector<16xi32>
        %parallel_loop3A_249 = tpu.vector_load_idx %arg7[%parallel_loop3A_248] masked %parallel_loop3A_245 : memref<49952xf32, #tpu.memory_space<vmem>>[vector<16xi32>], vector<16xf32>, vector<16xi1>
        %parallel_loop3A_250 = arith.constant 8192 : i32
        %parallel_loop3A_251 = arith.addi %parallel_loop3A_250, %parallel_loop3A_240 : i32
        %parallel_loop3A_252 = vector.broadcast %parallel_loop3A_251 : i32 to vector<16xi32>
        %parallel_loop3A_253 = arith.addi %parallel_loop3A_252, %iota3A : vector<16xi32>
        %parallel_loop3A_254 = vector.broadcast %select_n3A : f32 to vector<16xf32>
        %parallel_loop3A_255 = arith.mulf %parallel_loop3A_249, %parallel_loop3A_254 : vector<16xf32>
        tpu.vector_store_idx %arg10[%parallel_loop3A_253], %parallel_loop3A_255 masked %parallel_loop3A_245 : memref<16384xf32, #tpu.memory_space<vmem>>[vector<16xi32>], vector<16xf32>, vector<16xi1>
      } {sc.loop_unroll_factor = 8 : i64, sc.parallel_access}
      %dma_start3A_207 = arith.constant 8192 : i32
      %dma_start3A_208 = tpu.memref_slice %arg10[%dma_start3A_207] : memref<16384xf32, #tpu.memory_space<vmem>> -> memref<4096xf32, #tpu.memory_space<vmem>>
      %dma_start3A_209 = arith.constant 8192 : i32
      %dma_start3A_210 = tpu.memref_slice %arg4[%add3A, %scan3A_65, %dma_start3A_209] : memref<32x32x16384xf32, #tpu.memory_space<hbm>> -> memref<1x1x4096xf32, #tpu.memory_space<hbm>>
      %dma_start3A_211 = tpu.memref_squeeze %dma_start3A_210 : memref<1x1x4096xf32, #tpu.memory_space<hbm>> -> memref<4096xf32, #tpu.memory_space<hbm>>
      %dma_start3A_212 = arith.constant 8192 : i32
      %dma_start3A_213 = tpu.memref_slice %arg4[%add3A, %scan3A_65, %dma_start3A_212] : memref<32x32x16384xf32, #tpu.memory_space<hbm>> -> memref<1x1x4096xf32, #tpu.memory_space<hbm>>
      %dma_start3A_214 = tpu.memref_squeeze %dma_start3A_213 : memref<1x1x4096xf32, #tpu.memory_space<hbm>> -> memref<4096xf32, #tpu.memory_space<hbm>>
      %dma_start3A_215 = arith.constant 8192 : i32
      %dma_start3A_216 = tpu.memref_slice %arg10[%dma_start3A_215] : memref<16384xf32, #tpu.memory_space<vmem>> -> memref<4096xf32, #tpu.memory_space<vmem>>
      tpu.enqueue_dma source(%dma_start3A_216 : memref<4096xf32, #tpu.memory_space<vmem>>) target(%dma_start3A_214 : memref<4096xf32, #tpu.memory_space<hbm>>) target_semaphore(%arg17 : memref<!tpu.dma_semaphore, #tpu.memory_space<semaphore_mem>>)
      %dma_wait3A_217 = arith.constant 12288 : i32
      %dma_wait3A_218 = tpu.memref_slice %arg5[%dma_wait3A_217] : memref<16384xi32, #tpu.memory_space<vmem_shared>> -> memref<4096xi32, #tpu.memory_space<vmem_shared>>
      %dma_wait3A_219 = arith.constant 12288 : i32
      %dma_wait3A_220 = tpu.memref_slice %arg5[%dma_wait3A_219] : memref<16384xi32, #tpu.memory_space<vmem_shared>> -> memref<4096xi32, #tpu.memory_space<vmem_shared>>
      tpu.wait_dma2 semaphore(%arg14 : memref<!tpu.dma_semaphore, #tpu.memory_space<semaphore_mem>>) src(%dma_wait3A_220 : memref<4096xi32, #tpu.memory_space<vmem_shared>>) dst(%arg9 : memref<4096xi32, #tpu.memory_space<vmem>>)
      %dma_start3A_221 = arith.constant 0 : i32
      %dma_start3A_222 = tpu.memref_slice %arg5[%dma_start3A_221] : memref<16384xi32, #tpu.memory_space<vmem_shared>> -> memref<4096xi32, #tpu.memory_space<vmem_shared>>
      %dma_start3A_223 = arith.constant 0 : i32
      %dma_start3A_224 = tpu.memref_slice %arg5[%dma_start3A_223] : memref<16384xi32, #tpu.memory_space<vmem_shared>> -> memref<4096xi32, #tpu.memory_space<vmem_shared>>
      tpu.enqueue_dma source(%dma_start3A_224 : memref<4096xi32, #tpu.memory_space<vmem_shared>>) target(%arg8 : memref<4096xi32, #tpu.memory_space<vmem>>) target_semaphore(%arg13 : memref<!tpu.dma_semaphore, #tpu.memory_space<semaphore_mem>>)
      %parallel_loop3A_225 = arith.constant 0 : i32
      %parallel_loop3A_226 = arith.constant 256 : i32
      %parallel_loop3A_227 = arith.constant 1 : i32
      scf.for %parallel_loop3A_238 = %parallel_loop3A_225 to %parallel_loop3A_226 step %parallel_loop3A_227  : i32 {
        %parallel_loop3A_239 = arith.constant 16 : i32
        %parallel_loop3A_240 = arith.muli %parallel_loop3A_238, %parallel_loop3A_239 : i32
        %parallel_loop3A_241 = arith.index_cast %parallel_loop3A_240 : i32 to index
        %parallel_loop3A_242 = tpu.vector_load %arg9[%parallel_loop3A_241] {strides = array<i32>} : memref<4096xi32, #tpu.memory_space<vmem>>, vector<16xi32>,
        %parallel_loop3A_243 = arith.constant 50048 : i32
        %parallel_loop3A_244 = vector.broadcast %parallel_loop3A_243 : i32 to vector<16xi32>
        %parallel_loop3A_245 = arith.cmpi sge, %parallel_loop3A_242, %parallel_loop3A_244 : vector<16xi32>
        %parallel_loop3A_246 = arith.constant 50048 : i32
        %parallel_loop3A_247 = vector.broadcast %parallel_loop3A_246 : i32 to vector<16xi32>
        %parallel_loop3A_248 = arith.subi %parallel_loop3A_242, %parallel_loop3A_247 : vector<16xi32>
        %parallel_loop3A_249 = tpu.vector_load_idx %arg7[%parallel_loop3A_248] masked %parallel_loop3A_245 : memref<49952xf32, #tpu.memory_space<vmem>>[vector<16xi32>], vector<16xf32>, vector<16xi1>
        %parallel_loop3A_250 = arith.constant 12288 : i32
        %parallel_loop3A_251 = arith.addi %parallel_loop3A_250, %parallel_loop3A_240 : i32
        %parallel_loop3A_252 = vector.broadcast %parallel_loop3A_251 : i32 to vector<16xi32>
        %parallel_loop3A_253 = arith.addi %parallel_loop3A_252, %iota3A : vector<16xi32>
        %parallel_loop3A_254 = vector.broadcast %select_n3A : f32 to vector<16xf32>
        %parallel_loop3A_255 = arith.mulf %parallel_loop3A_249, %parallel_loop3A_254 : vector<16xf32>
        tpu.vector_store_idx %arg10[%parallel_loop3A_253], %parallel_loop3A_255 masked %parallel_loop3A_245 : memref<16384xf32, #tpu.memory_space<vmem>>[vector<16xi32>], vector<16xf32>, vector<16xi1>
      } {sc.loop_unroll_factor = 8 : i64, sc.parallel_access}
      %dma_start3A_228 = arith.constant 12288 : i32
      %dma_start3A_229 = tpu.memref_slice %arg10[%dma_start3A_228] : memref<16384xf32, #tpu.memory_space<vmem>> -> memref<4096xf32, #tpu.memory_space<vmem>>
      %dma_start3A_230 = arith.constant 12288 : i32
      %dma_start3A_231 = tpu.memref_slice %arg4[%add3A, %scan3A_65, %dma_start3A_230] : memref<32x32x16384xf32, #tpu.memory_space<hbm>> -> memref<1x1x4096xf32, #tpu.memory_space<hbm>>
      %dma_start3A_232 = tpu.memref_squeeze %dma_start3A_231 : memref<1x1x4096xf32, #tpu.memory_space<hbm>> -> memref<4096xf32, #tpu.memory_space<hbm>>
      %dma_start3A_233 = arith.constant 12288 : i32
      %dma_start3A_234 = tpu.memref_slice %arg4[%add3A, %scan3A_65, %dma_start3A_233] : memref<32x32x16384xf32, #tpu.memory_space<hbm>> -> memref<1x1x4096xf32, #tpu.memory_space<hbm>>
      %dma_start3A_235 = tpu.memref_squeeze %dma_start3A_234 : memref<1x1x4096xf32, #tpu.memory_space<hbm>> -> memref<4096xf32, #tpu.memory_space<hbm>>
      %dma_start3A_236 = arith.constant 12288 : i32
      %dma_start3A_237 = tpu.memref_slice %arg10[%dma_start3A_236] : memref<16384xf32, #tpu.memory_space<vmem>> -> memref<4096xf32, #tpu.memory_space<vmem>>
      tpu.enqueue_dma source(%dma_start3A_237 : memref<4096xf32, #tpu.memory_space<vmem>>) target(%dma_start3A_235 : memref<4096xf32, #tpu.memory_space<hbm>>) target_semaphore(%arg18 : memref<!tpu.dma_semaphore, #tpu.memory_space<semaphore_mem>>)
    }
    %scan3A_17 = arith.constant 32 : i32
    %dma_wait3A = arith.constant 0 : i32
    %dma_wait3A_18 = tpu.memref_slice %arg5[%dma_wait3A] : memref<16384xi32, #tpu.memory_space<vmem_shared>> -> memref<4096xi32, #tpu.memory_space<vmem_shared>>
    %dma_wait3A_19 = arith.constant 0 : i32
    %dma_wait3A_20 = tpu.memref_slice %arg5[%dma_wait3A_19] : memref<16384xi32, #tpu.memory_space<vmem_shared>> -> memref<4096xi32, #tpu.memory_space<vmem_shared>>
    tpu.wait_dma2 semaphore(%arg13 : memref<!tpu.dma_semaphore, #tpu.memory_space<semaphore_mem>>) src(%dma_wait3A_20 : memref<4096xi32, #tpu.memory_space<vmem_shared>>) dst(%arg8 : memref<4096xi32, #tpu.memory_space<vmem>>)
    %dma_wait3A_21 = arith.constant 31 : i32
    %dma_wait3A_22 = arith.constant 0 : i32
    %dma_wait3A_23 = tpu.memref_slice %arg10[%dma_wait3A_22] : memref<16384xf32, #tpu.memory_space<vmem>> -> memref<4096xf32, #tpu.memory_space<vmem>>
    %dma_wait3A_24 = arith.constant 0 : i32
    %dma_wait3A_25 = tpu.memref_slice %arg4[%add3A, %dma_wait3A_21, %dma_wait3A_24] : memref<32x32x16384xf32, #tpu.memory_space<hbm>> -> memref<1x1x4096xf32, #tpu.memory_space<hbm>>
    %dma_wait3A_26 = tpu.memref_squeeze %dma_wait3A_25 : memref<1x1x4096xf32, #tpu.memory_space<hbm>> -> memref<4096xf32, #tpu.memory_space<hbm>>
    %dma_wait3A_27 = arith.constant 0 : i32
    %dma_wait3A_28 = tpu.memref_slice %arg4[%add3A, %dma_wait3A_21, %dma_wait3A_27] : memref<32x32x16384xf32, #tpu.memory_space<hbm>> -> memref<1x1x4096xf32, #tpu.memory_space<hbm>>
    %dma_wait3A_29 = tpu.memref_squeeze %dma_wait3A_28 : memref<1x1x4096xf32, #tpu.memory_space<hbm>> -> memref<4096xf32, #tpu.memory_space<hbm>>
    %dma_wait3A_30 = arith.constant 0 : i32
    %dma_wait3A_31 = tpu.memref_slice %arg10[%dma_wait3A_30] : memref<16384xf32, #tpu.memory_space<vmem>> -> memref<4096xf32, #tpu.memory_space<vmem>>
    tpu.wait_dma2 semaphore(%arg15 : memref<!tpu.dma_semaphore, #tpu.memory_space<semaphore_mem>>) src(%dma_wait3A_31 : memref<4096xf32, #tpu.memory_space<vmem>>) dst(%dma_wait3A_29 : memref<4096xf32, #tpu.memory_space<hbm>>)
    %dma_wait3A_32 = arith.constant 31 : i32
    %dma_wait3A_33 = arith.constant 4096 : i32
    %dma_wait3A_34 = tpu.memref_slice %arg10[%dma_wait3A_33] : memref<16384xf32, #tpu.memory_space<vmem>> -> memref<4096xf32, #tpu.memory_space<vmem>>
    %dma_wait3A_35 = arith.constant 4096 : i32
    %dma_wait3A_36 = tpu.memref_slice %arg4[%add3A, %dma_wait3A_32, %dma_wait3A_35] : memref<32x32x16384xf32, #tpu.memory_space<hbm>> -> memref<1x1x4096xf32, #tpu.memory_space<hbm>>
    %dma_wait3A_37 = tpu.memref_squeeze %dma_wait3A_36 : memref<1x1x4096xf32, #tpu.memory_space<hbm>> -> memref<4096xf32, #tpu.memory_space<hbm>>
    %dma_wait3A_38 = arith.constant 4096 : i32
    %dma_wait3A_39 = tpu.memref_slice %arg4[%add3A, %dma_wait3A_32, %dma_wait3A_38] : memref<32x32x16384xf32, #tpu.memory_space<hbm>> -> memref<1x1x4096xf32, #tpu.memory_space<hbm>>
    %dma_wait3A_40 = tpu.memref_squeeze %dma_wait3A_39 : memref<1x1x4096xf32, #tpu.memory_space<hbm>> -> memref<4096xf32, #tpu.memory_space<hbm>>
    %dma_wait3A_41 = arith.constant 4096 : i32
    %dma_wait3A_42 = tpu.memref_slice %arg10[%dma_wait3A_41] : memref<16384xf32, #tpu.memory_space<vmem>> -> memref<4096xf32, #tpu.memory_space<vmem>>
    tpu.wait_dma2 semaphore(%arg16 : memref<!tpu.dma_semaphore, #tpu.memory_space<semaphore_mem>>) src(%dma_wait3A_42 : memref<4096xf32, #tpu.memory_space<vmem>>) dst(%dma_wait3A_40 : memref<4096xf32, #tpu.memory_space<hbm>>)
    %dma_wait3A_43 = arith.constant 31 : i32
    %dma_wait3A_44 = arith.constant 8192 : i32
    %dma_wait3A_45 = tpu.memref_slice %arg10[%dma_wait3A_44] : memref<16384xf32, #tpu.memory_space<vmem>> -> memref<4096xf32, #tpu.memory_space<vmem>>
    %dma_wait3A_46 = arith.constant 8192 : i32
    %dma_wait3A_47 = tpu.memref_slice %arg4[%add3A, %dma_wait3A_43, %dma_wait3A_46] : memref<32x32x16384xf32, #tpu.memory_space<hbm>> -> memref<1x1x4096xf32, #tpu.memory_space<hbm>>
    %dma_wait3A_48 = tpu.memref_squeeze %dma_wait3A_47 : memref<1x1x4096xf32, #tpu.memory_space<hbm>> -> memref<4096xf32, #tpu.memory_space<hbm>>
    %dma_wait3A_49 = arith.constant 8192 : i32
    %dma_wait3A_50 = tpu.memref_slice %arg4[%add3A, %dma_wait3A_43, %dma_wait3A_49] : memref<32x32x16384xf32, #tpu.memory_space<hbm>> -> memref<1x1x4096xf32, #tpu.memory_space<hbm>>
    %dma_wait3A_51 = tpu.memref_squeeze %dma_wait3A_50 : memref<1x1x4096xf32, #tpu.memory_space<hbm>> -> memref<4096xf32, #tpu.memory_space<hbm>>
    %dma_wait3A_52 = arith.constant 8192 : i32
    %dma_wait3A_53 = tpu.memref_slice %arg10[%dma_wait3A_52] : memref<16384xf32, #tpu.memory_space<vmem>> -> memref<4096xf32, #tpu.memory_space<vmem>>
    tpu.wait_dma2 semaphore(%arg17 : memref<!tpu.dma_semaphore, #tpu.memory_space<semaphore_mem>>) src(%dma_wait3A_53 : memref<4096xf32, #tpu.memory_space<vmem>>) dst(%dma_wait3A_51 : memref<4096xf32, #tpu.memory_space<hbm>>)
    %dma_wait3A_54 = arith.constant 31 : i32
    %dma_wait3A_55 = arith.constant 12288 : i32
    %dma_wait3A_56 = tpu.memref_slice %arg10[%dma_wait3A_55] : memref<16384xf32, #tpu.memory_space<vmem>> -> memref<4096xf32, #tpu.memory_space<vmem>>
    %dma_wait3A_57 = arith.constant 12288 : i32
    %dma_wait3A_58 = tpu.memref_slice %arg4[%add3A, %dma_wait3A_54, %dma_wait3A_57] : memref<32x32x16384xf32, #tpu.memory_space<hbm>> -> memref<1x1x4096xf32, #tpu.memory_space<hbm>>
    %dma_wait3A_59 = tpu.memref_squeeze %dma_wait3A_58 : memref<1x1x4096xf32, #tpu.memory_space<hbm>> -> memref<4096xf32, #tpu.memory_space<hbm>>
    %dma_wait3A_60 = arith.constant 12288 : i32
    %dma_wait3A_61 = tpu.memref_slice %arg4[%add3A, %dma_wait3A_54, %dma_wait3A_60] : memref<32x32x16384xf32, #tpu.memory_space<hbm>> -> memref<1x1x4096xf32, #tpu.memory_space<hbm>>
    %dma_wait3A_62 = tpu.memref_squeeze %dma_wait3A_61 : memref<1x1x4096xf32, #tpu.memory_space<hbm>> -> memref<4096xf32, #tpu.memory_space<hbm>>
    %dma_wait3A_63 = arith.constant 12288 : i32
    %dma_wait3A_64 = tpu.memref_slice %arg10[%dma_wait3A_63] : memref<16384xf32, #tpu.memory_space<vmem>> -> memref<4096xf32, #tpu.memory_space<vmem>>
    tpu.wait_dma2 semaphore(%arg18 : memref<!tpu.dma_semaphore, #tpu.memory_space<semaphore_mem>>) src(%dma_wait3A_64 : memref<4096xf32, #tpu.memory_space<vmem>>) dst(%dma_wait3A_62 : memref<4096xf32, #tpu.memory_space<hbm>>)
    return
  }
}

</mosaic_0001>

<sc_bundles>
// kernel: kernel.3.cloned.1.call-start
scs
__scs_entry_jumppad:
0x0: {  	(pc) =	sbr.rel $0x88, $3  }
0x1: {  	(tag) =	ssettag $0x0;
	lr =	simm.s32 $0x1  }
0x2: {  	[smem:$0x3F9F] =	sst lr;
	_ =	strace $0xD0000000  }
0x3: {  	_ = 	snop  }
0x4: {  	_ = 	snop  }
0x5: {  	_ = 	snop  }
0x6: {  	_ = 	snop  }
0x7: {  	_ = 	snop  }
__scs_overlays_trampoline_lowered:
0x8: {  	[smem:$0x3FAE] =	sst s0  }
0x9: {  	[smem:$0x3FAF] =	sst s1  }
0xa: {  	[smem:$0x3FB0] =	sst s2  }
0xb: {  	[smem:$0x3FB1] =	sst s3  }
0xc: {  	[smem:$0x3FB2] =	sst s4  }
0xd: {  	[smem:$0x3FB3] =	sst s5  }
0xe: {  	[smem:$0x3FB4] =	sst s6  }
0xf: {  	[smem:$0x3FB5] =	sst s7  }
0x10: {  	[smem:$0x3FB6] =	sst s8  }
0x11: {  	[smem:$0x3FB7] =	sst s9;
	s0 =	simm.s32 @!p0 $0x0  }
0x12: {  	s1 =	sld [smem:$0x3F9D];
	s0 =	simm.s32 @p0 $0x1  }
0x13: {  	[smem:$0x3FB8] =	sst s0;
	s0 =	simm.s32 @!p1 $0x0  }
0x14: {  	s2 =	sld [smem:$0x3F9C];
	s0 =	simm.s32 @p1 $0x1  }
0x15: {  	[smem:$0x3FB9] =	sst s0;
	s0 =	simm.s32 @!p2 $0x0  }
0x16: {  	s3 =	sld [smem:$0x3FDB];
	s0 =	simm.s32 @p2 $0x1  }
0x17: {  	s4 =	simm.s32 $0x1BF5;
	[smem:$0x3FBB] =	sst s0  }
0x18: {  	s0 =	sld [smem:$0x3F9E];
	_ =	swait.ge [sflag:s4], $0x0  }
0x19: {  	s7 =	sld [smem:$0x3F9F]  }
0x1a: {  	s8 =	sadd.s32 $0xFFFFE003, lr  }
0x1b: {  	s9 =	sadd.s32 $0xFFFFFEF7, lr;
	s5 =	simm.s32 $0xFFFFFFFF;
	p2 =	slt.u32 s8, $0xFFFFF086  }
0x1c: {  	p1 =	slt.u32 s9, $0xF7A;
	s5 =	simm.s32 @!p2 $0x0  }
0x1d: {  	s5 =	simm.s32 @p1 $0x1;
	p0 =	seq.s32 s7, s2  }
0x1e: {  	s7 =	smul.u32 @!p0 $0xF7A, s2;
	p2 =	seq.s32 @!p0 s5, $0x0  }
0x1f: {  	s9 =	smul.u32 $0xF7A, s1;
	s8 =	simm.s32 @!p0 $0x1BF5;
	p2 =	por !p2, p0  }
0x20: {  	[sflag:s8] =	ssyncset.s32 @!p0 $0xFFFFF086;
	s6 =	sadd.s32 @!p0 s3, s7;
	s7 =	simm.s32 @!p0 $0x108  }
0x21: {  	s3 =	sadd.s32 s3, s9;
	s6 =	sadd.s32 @!p0 $0x88, s6;
	s7 =	simm.s32 @p2 $0x1082  }
0x22: {  	[simem:s7], [sflag:s8] =	dma.local @!p0 [hbm:s6], $0xF7A  }
0x23: {  	s9 =	sor.u32 $0xD0000000, s2;
	s6 =	simm.s32 $0x108;
	_ =	swait.ge @!p0 [sflag:s8], $0x0  }
0x24: {  	s3 =	sadd.s32 $0x88, s3;
	s6 =	simm.s32 @!p1 $0x1082;
	[sflag:s4] =	ssyncset.s32 $0xFFFFF086  }
0x25: {  	[simem:s6], [sflag:s4] =	dma.local [hbm:s3], $0xF7A  }
0x26: {  	[smem:$0x3F9F] =	sst s1;
	(tag) =	ssettag s2;
	_ =	strace s9  }
0x27: {  	s1 =	sld [smem:$0x3FAF]  }
0x28: {  	s2 =	sld [smem:$0x3FB0]  }
0x29: {  	s4 =	sld [smem:$0x3FB2]  }
0x2a: {  	p0 =	seq.s32 s5, $0x0;
	s5 =	sld [smem:$0x3FB3]  }
0x2b: {  	s6 =	sld [smem:$0x3FB4]  }
0x2c: {  	s7 =	sld [smem:$0x3FB5]  }
0x2d: {  	s3 =	simm.s32 $0x108;
	s8 =	sld [smem:$0x3FB6]  }
0x2e: {  	s3 =	simm.s32 @!p0 $0x1082;
	s9 =	sld [smem:$0x3FB7]  }
0x2f: {  	lr =	sadd.s32 s0, s3;
	s0 =	sld [smem:$0x3FAE]  }
0x30: {  	s3 =	sld [smem:$0x3FB1]  }
0x31: {  	[smem:$0x3FBA] =	sst s10  }
0x32: {  	s10 =	sld [smem:$0x3FB8];
	_ =	sdelay $0x3  }
0x33: {  	p0 =	seq.s32 s10, $0x1;
	s10 =	sld [smem:$0x3FBA];
	_ =	sdelay $0x3  }
0x34: {  	[smem:$0x3FBA] =	sst s10  }
0x35: {  	s10 =	sld [smem:$0x3FB9];
	_ =	sdelay $0x3  }
0x36: {  	p1 =	seq.s32 s10, $0x1;
	s10 =	sld [smem:$0x3FBA];
	_ =	sdelay $0x3  }
0x37: {  	[smem:$0x3FBA] =	sst s10  }
0x38: {  	s10 =	sld [smem:$0x3FBB]  }
0x39: {  	_ = 	snop;
	(pc) =	sbr.ind lr, $3  }
0x3a: {  	_ = 	snop  }
0x3b: {  	_ = 	snop  }
0x3c: {  	p2 =	seq.s32 s10, $0x1;
	s10 =	sld [smem:$0x3FBA]  }
0x3d: {  	_ =	shalt  }
0x3e: {  	_ =	shalt  }
0x3f: {  	_ =	shalt  }
0x40: {  	_ =	shalt  }
0x41: {  	_ =	shalt  }
0x42: {  	_ =	shalt  }
0x43: {  	_ =	shalt  }
0x44: {  	_ =	shalt  }
0x45: {  	_ =	shalt  }
0x46: {  	_ =	shalt  }
0x47: {  	_ =	shalt  }
0x48: {  	_ =	shalt  }
0x49: {  	_ =	shalt  }
0x4a: {  	_ =	shalt  }
0x4b: {  	_ =	shalt  }
0x4c: {  	_ =	shalt  }
0x4d: {  	_ =	shalt  }
0x4e: {  	_ =	shalt  }
0x4f: {  	_ =	shalt  }
0x50: {  	_ =	shalt  }
0x51: {  	_ =	shalt  }
0x52: {  	_ =	shalt  }
0x53: {  	_ =	shalt  }
0x54: {  	_ =	shalt  }
0x55: {  	_ =	shalt  }
0x56: {  	_ =	shalt  }
0x57: {  	_ =	shalt  }
0x58: {  	_ =	shalt  }
0x59: {  	_ =	shalt  }
0x5a: {  	_ =	shalt  }
0x5b: {  	_ =	shalt  }
0x5c: {  	_ =	shalt  }
0x5d: {  	_ =	shalt  }
0x5e: {  	_ =	shalt  }
0x5f: {  	_ =	shalt  }
0x60: {  	_ =	shalt  }
0x61: {  	_ =	shalt  }
0x62: {  	_ =	shalt  }
0x63: {  	_ =	shalt  }
0x64: {  	_ =	shalt  }
0x65: {  	_ =	shalt  }
0x66: {  	_ =	shalt  }
0x67: {  	_ =	shalt  }
0x68: {  	_ =	shalt  }
0x69: {  	_ =	shalt  }
0x6a: {  	_ =	shalt  }
0x6b: {  	_ =	shalt  }
0x6c: {  	_ =	shalt  }
0x6d: {  	_ =	shalt  }
0x6e: {  	_ =	shalt  }
0x6f: {  	_ =	shalt  }
0x70: {  	_ =	shalt  }
0x71: {  	_ =	shalt  }
0x72: {  	_ =	shalt  }
0x73: {  	_ =	shalt  }
0x74: {  	_ =	shalt  }
0x75: {  	_ =	shalt  }
0x76: {  	_ =	shalt  }
0x77: {  	_ =	shalt  }
0x78: {  	_ =	shalt  }
0x79: {  	_ =	shalt  }
0x7a: {  	_ =	shalt  }
0x7b: {  	_ =	shalt  }
0x7c: {  	_ =	shalt  }
0x7d: {  	_ =	shalt  }
0x7e: {  	_ =	shalt  }
0x7f: {  	_ =	shalt  }
0x80: {  	_ =	shalt  }
0x81: {  	_ =	shalt  }
0x82: {  	_ =	shalt  }
0x83: {  	_ =	shalt  }
0x84: {  	_ =	shalt  }
0x85: {  	_ =	shalt  }
0x86: {  	_ =	shalt  }
0x87: {  	_ =	shalt  }
.Lfunc_end0:
.L_simem_size_0:
called_computation_lowered:
.L_overlay_start_0:
0x88: {  	s2 =	sld [smem:$0x3FD9]  }
0x89: {  	s3 =	sld [smem:$0x3FFE];
	_ =	sdelay $0x1  }
0x8a: {  	s1 =	srdreg.scid  }
0x8b: {  	s0 =	sand.u32 $0x1, s1  }
0x8c: {  	s18 =	sshll.u32 s0, $0xA;
	s2 =	sadd.s32 s3, s2  }
0x8d: {  	s2 =	sadd.s32 s2, s18  }
0x8e: {  	[smem:$0x3FC6] =	sst s2  }
0x8f: {  	_ = 	snop  }
0x90: {  	s2 =	sld [smem:$0x3FC9]  }
0x91: {  	s19 =	sld [smem:$0x3FC8]  }
0x92: {  	s4 =	sld [smem:$0x3FD0];
	(tm) =	ssettm $0x1  }
0x93: {  	s5 =	sld [smem:$0x3FFB];
	_ =	sdelay $0x3  }
0x94: {  	_ =	strace s5  }
0x95: {  	s5 =	sld [smem:$0x3FFC];
	_ =	sdelay $0x3  }
0x96: {  	_ =	strace s5  }
0x97: {  	s5 =	sld [smem:$0x3FFD];
	_ =	sdelay $0x3  }
0x98: {  	_ =	strace s5  }
0x99: {  	_ =	strace $0x8FFFFFFF  }
0x9a: {  	s20 =	sld [smem:$0x3FDB];
	_ =	sdelay $0x1  }
0x9b: {  	s6 =	simm.s32 $_scs_section_size  }
0x9c: {  	s7 =	simm.s32 $_size__tile_overlayer_lowered;
	s8 =	simm.s32 $_tile_overlayer_lowered  }
0x9d: {  	s23 =	simm.s32 $0x1BFF;
	s22 =	sshll.u32 s8, $0x1;
	s5 =	sadd.s32 s6, s20  }
0x9e: {  	s9 =	simm.s32 $0x0;
	s21 =	sshll.u32 s7, $0x1;
	s7 =	sadd.s32 s22, s5  }
0x9f: {  	[timem:s9], [sflag:s23] =	dma.local [hbm:s7], s21  }
0xa0: {  	_ =	swait.ge [sflag:s23], s21  }
0xa1: {  	s6 =	ssub.s32 $0x0, s21;
	[sflag:s23] =	ssyncset.done $0x0  }
0xa2: {  	[sflag:s23] =	ssyncadd.s32 s6;
	_ =	sdelay $0x1  }
0xa3: {  	s24 =	simm.s32 $0x1B8B  }
0xa4: {  	_ =	swait.ge [sflag:s24], $0x1  }
0xa5: {  	[sflag:s24] =	ssyncset.done $0x0  }
0xa6: {  	s25 =	simm.s32 $0x1B8E;
	[sflag:s24] =	ssyncadd.s32 $0xFFFFFFFF  }
0xa7: {  	s26 =	simm.s32 $execute0_lowered;
	[smem:$0x3FD2] =	sst s25  }
0xa8: {  	s6 =	sshll.u32 s26, $0x1;
	_ =	strace $0x80000046;
	[dreg:$0x1] =	wrdreg $0xFFFFFFFF  }
0xa9: {  	s28 =	simm.s32 $_size_execute0_lowered;
	s5 =	sadd.s32 s5, s6;
	[dreg:$0x0] =	wrdreg $0x0  }
0xaa: {  	s6 =	sshll.u32 s28, $0x1;
	[dreg:$0x2] =	wrdreg s5  }
0xab: {  	[dreg:$0x3] =	wrdreg s6  }
0xac: {  	[dreg:$0x4] =	wrdreg $0xC0  }
0xad: {  	_ =	task [dreg:s9], $0x5FFFF  }
0xae: {  	[dreg:$0x1] =	wrdreg $0xFFFFFFFF  }
0xaf: {  	[dreg:$0x0] =	wrdreg $0x60  }
0xb0: {  	[dreg:$0x2] =	wrdreg s2  }
0xb1: {  	[dreg:$0x3] =	wrdreg s19  }
0xb2: {  	[dreg:$0x4] =	wrdreg s4  }
0xb3: {  	[dreg:$0x5] =	wrdreg $0x0  }
0xb4: {  	[dreg:$0x6] =	wrdreg $0x9  }
0xb5: {  	_ =	task.clear_ibuf [dreg:s9], $0x7FFFF;
	_ =	strace $0x90000046  }
0xb6: {  	s29 =	simm.s32 $0x9;
	_ =	strace $0x80000048  }
0xb7: {  	_ =	swait.ge [sflag:s29], $0x1  }
0xb8: {  	[sflag:s29] =	ssyncadd.s32 $0xFFFFFFFF  }
0xb9: {  	_ =	strace $0x90000048  }
0xba: {  	_ =	sfence  }
0xbb: {  	s30 =	sld [smem:$0x0];
	_ =	sdelay $0x2  }
0xbc: {  	s31 =	sshll.u32 s1, $0xD;
	s1 =	sshrl.u32 s1, $0x2  }
0xbd: {  	s3 =	sand.u32 $0x4000, s31;
	s1 =	sadd.s32 s1, s30  }
0xbe: {  	s0 =	sor.u32 s3, s0;
	s1 =	sshll.u32 s1, $0x11  }
0xbf: {  	s0 =	sor.u32 s1, s0  }
0xc0: {  	s0 =	sadd.s32 $0x8F2B, s0  }
0xc1: {  	[sflag:s0] =	ssyncadd.remote.s32 $0x1  }
0xc2: {  	_ =	sfence.sel $0xFFFF  }
0xc3: {  	[dreg:$0x0] =	wrdreg $0xFFFFFFFF;
	(pc) =	sbr.abs _section_cstart, $3  }
0xc4: {  	[dreg:$0x1] =	wrdreg $0xFFFFFFFF  }
0xc5: {  	_ =	task.clear_ibuf [dreg:s9], $0x2FFFF;
	_ =	strace $0x9FFFFFFF  }
0xc6: {  	(tm) =	ssettm $0x7FFFFFFF  }
0xc7: {  	_ =	shalt  }
tec
execute0_lowered:
.L_overlay_start_1:
0x0: {  	(tag) =	ssettag $0x1  }
0x1: {  	s5 =	rddreg [dreg:$0x0];
	s1 =	srdreg.scid  }
0x2: {  	s2 =	stileid.u32;
	s0 =	rddreg [dreg:$0x2]  }
0x3: {  	s4 =	rddreg [dreg:$0x3];
	s8 =	simm.s32 $0x0;
	s18 =	simm.s32 $0x80  }
0x4: {  	s19 =	simm.s32 $0x400;
	s21 =	simm.s32 $0x18B00;
	s22 =	simm.s32 $0xC780  }
0x5: {  	s28 =	simm.s32 $0x4;
	s29 =	simm.s32 $0x2;
	s1 =	sand.u32 $0x1, s1  }
0x6: {  	s3 =	sshll.u32 s2, $0x1;
	[smem:$0x7FF] =	sst s8;
	s10 =	sadd.s32 $0x1000, s4  }
0x7: {  	s11 =	sadd.s32 $0x2000, s4;
	s12 =	sadd.s32 $0x3000, s4;
	s30 =	sadd.s32 $0x1000, s0  }
0x8: {  	s15 =	sadd.s32 $0x2000, s0;
	s16 =	sadd.s32 $0x3000, s0;
	p0 =	sne.s32 s2, $0x0  }
0x9: {  	s7 =	sor.u32 s1, s3;
	s1 =	ssub.s32 $0x2, s1;
	_ =	strace $0x80000047  }
0xa: {  	[dreg:$0x9] =	wrdreg s30;
	s0 =	sshrl.u32 @!p0 s4, $0x3;
	s9 =	smul.u32 $0x30E000, s7  }
0xb: {  	s23 =	sshrl.u32 s1, $0x1;
	s26 =	sshll.u32 s7, $0x13;
	[dreg:$0xb] =	wrdreg s0  }
0xc: {  	s13 =	smov.u32 s7;
	s1 =	ssub.s32 s1, s23;
	[dreg:$0x8] =	wrdreg s26  }
0xd: {  	v0 =	vlaneseq.u32;
	v8 =	vimm.s32 $0x0;
	s23 =	simm.s32 $0x1;
	s26 =	simm.s32 $0x1AB00;
	s25 =	sadd.s32 $0x61C00, s9  }
0xe: {  	vm0 =	vcmask $0x300;
	v1 =	vor.u32 $0x10, v0;
	v2 =	vor.u32 $0x20, v0;
	s6 =	sshrl.u32 s9, $0x3;
	s31 =	smax.u32 s1, $0x1;
	[dreg:$0x7] =	wrdreg s25  }
0xf: {  	v3 =	vor.u32 $0x30, v0;
	v4 =	vor.u32 $0x40, v0;
	v5 =	vor.u32 $0x50, v0;
	s14 =	smov.u32 s9;
	s24 =	sadd.s32 s5, s6;
	[dreg:$0xa] =	wrdreg s31  }
0x10: {  	v6 =	vor.u32 $0x60, v0;
	v7 =	vor.u32 $0x70, v0;
	v8 =	vsel vm0, $0x7, v8;
	s25 =	simm.s32 $0x19B00;
	[dreg:$0x6] =	wrdreg s24;
	s24 =	simm.s32 $0x3  }
.LBB2_1:
0x11: {  	[dreg:$0x5] =	wrdreg s8  }
0x12: {  	s0 =	rddreg [dreg:$0x6]  }
0x13: {  	s2 =	rddreg [dreg:$0xb]  }
0x14: {  	[tilespmem:s19], [sflag:$0x1] =	stream.strided.gather [hbm4b:s0+s18], $0xC380, s19, s18, $0x38;
	[tilespmem:$0x1EB00] =	vst v63  }
0x15: {  	s1 =	simm.s32 @!p0 $0x1C09;
	s0 =	rddreg [dreg:$0x1]  }
0x16: {  	[spmem:s2], [sflag:s1] =	dma.local @!p0 [hbm:s0], $0x800  }
0x17: {  	s1 =	simm.s32 @!p0 $0x9  }
0x18: {  	_ =	swait.ge @!p0 [sflag:s1], $0x800  }
0x19: {  	[sflag:s1] =	ssyncset.done @!p0 $0x0  }
0x1a: {  	[sflag:s1] =	ssyncadd.s32 @!p0 $0xFFFFF800  }
0x1b: {  	s17 =	simm.s32 $0x0;
	[bflag:$0x0] =	sbarrier.arrive $0xFFFF  }
0x1c: {  	[tilespmem:s21], [sflag:$0x3] =	stream.linear.gather [spmem:s4], $0x1000, $0x38;
	[tilespmem:$0x1EB00] =	vst v63  }
.LBB2_2:
0x1d: {  	s8 =	sshrl.u32 s17, $0x3  }
0x1e: {  	s3 =	smul.u32 $0xC3800, s8  }
0x1f: {  	s1 =	sshll.u32 s17, $0x7;
	s0 =	rddreg [dreg:$0x7]  }
0x20: {  	s1 =	sand.u32 $0x380, s1;
	s3 =	sadd.s32 s3, s0  }
0x21: {  	s3 =	sor.u32 s1, s3  }
0x22: {  	s3 =	sshrl.u32 s3, $0x3  }
0x23: {  	s3 =	sadd.s32 s5, s3  }
0x24: {  	[tilespmem:s22], [sflag:$0x2] =	stream.strided.gather [hbm4b:s3+s18], $0xC380, s19, s18, $0x38;
	[tilespmem:$0x1EB00] =	vst v63  }
0x25: {  	_ =	swait.ge [sflag:s23], $0xC380  }
0x26: {  	[sflag:s23] =	ssyncset.done $0x0  }
0x27: {  	[sflag:s23] =	ssyncadd.s32 $0xFFFF3C80  }
0x28: {  	_ =	swait.ge [sflag:s24], $0x1000  }
0x29: {  	p1 =	seq.s32 s17, $0x0;
	[sflag:s24] =	ssyncset.done $0x0  }
0x2a: {  	s3 =	simm.s32 @!p1 $0x5;
	[sflag:s24] =	ssyncadd.s32 $0xFFFFF000  }
0x2b: {  	[tilespmem:s25], [sflag:$0x4] =	stream.linear.gather [spmem:s10], $0x1000, $0x38;
	[tilespmem:$0x1EB00] =	vst v63  }
0x2c: {  	_ =	swait.ge @!p1 [sflag:s3], $0x1000  }
0x2d: {  	[sflag:s3] =	ssyncset.done @!p1 $0x0  }
0x2e: {  	s20 =	simm.s32 $0x18B40;
	[sflag:s3] =	ssyncadd.s32 @!p1 $0xFFFFF000  }
0x2f: {  	v9 =	vld [tilespmem:s20+$0x30];
	_ =	sdelay $0x1  }
0x30: {  	v10 =	vld [tilespmem:s20+$0xFFFFFFD0]  }
0x31: {  	v13 =	vld [tilespmem:s20+$0x0]  }
0x32: {  	v11 =	vld [tilespmem:s20+$0xFFFFFFE0]  }
0x33: {  	v12 =	vld [tilespmem:s20+$0xFFFFFFF0];
	vm4 =	vlt.s32 v9, $0xC380  }
0x34: {  	v16 =	vld [tilespmem:s20+$0x10]  }
0x35: {  	v17 =	vld [tilespmem:s20+$0x20];
	vm2 =	vlt.s32 v10, $0xC380  }
0x36: {  	s31 =	simm.s32 $0x18BC0;
	v14 =	vld [tilespmem:s20+$0xFFFFFFC0];
	vm8 =	vlt.s32 v13, $0xC380  }
0x37: {  	v21 =	vld [tilespmem:s31+$0x30];
	vm5 =	vlt.s32 v11, $0xC380  }
0x38: {  	s30 =	simm.s32 $0x0;
	v22 =	vld [tilespmem:s31+$0xFFFFFFD0];
	vm6 =	vlt.s32 v12, $0xC380  }
0x39: {  	v15 =	vld.idx.msk [tilespmem:v9+s19+$0x0], vm4;
	v9 =	vmov s30  }
0x3a: {  	v23 =	vld [tilespmem:s31+$0xFFFFFFE0];
	v9 =	vshrl.u32 v9, $0x7  }
0x3b: {  	vm7 =	vlt.s32 v16, $0xC380;
	v10 =	vld.idx.msk [tilespmem:v10+s19+$0x0], vm2;
	v9 =	vshll.u32 v9, $0x7  }
0x3c: {  	vm9 =	vlt.s32 v17, $0xC380;
	v20 =	vld.idx.msk [tilespmem:v13+s19+$0x0], vm8;
	v13 =	vbroadcast v9, $0x0  }
0x3d: {  	v18 =	vld.idx.msk [tilespmem:v11+s19+$0x0], vm5  }
0x3e: {  	p2 =	seq.s32 s13, s17;
	s6 =	simm.f32 $0.0e+00;
	v19 =	vld.idx.msk [tilespmem:v12+s19+$0x0], vm6;
	v12 =	vor.u32 v7, v13  }
0x3f: {  	s6 =	simm.s32 @!p2 $0x3F800000;
	v25 =	vld [tilespmem:s31+$0xFFFFFFF0];
	vm0 =	vlt.s32 v14, $0xC380;
	v24 =	vor.u32 v1, v13  }
0x40: {  	v29 =	vld [tilespmem:s31+$0x0];
	vm0 =	vmmov vm0;
	v9 =	vmov s6;
	v26 =	vor.u32 v2, v13  }
0x41: {  	vm3 =	vlt.s32 v22, $0xC380;
	v31 =	vld.idx.msk [tilespmem:v16+s19+$0x0], vm7;
	v15 =	vmul.f32 v15, v9  }
0x42: {  	vm1 =	vlt.s32 v21, $0xC380;
	v16 =	vld.idx.msk [tilespmem:v17+s19+$0x0], vm9;
	v27 =	vmul.f32 v10, v9  }
0x43: {  	v11 =	vld [tilespmem:s31+$0x10];
	v28 =	vor.u32 v3, v13;
	v18 =	vmul.f32 v18, v9;
	[tilespmem:v12+s26+$0x0] =	vst.idx.msk vm4, v15;
	vm4 =	vlt.s32 v23, $0xC380  }
0x44: {  	s6 =	simm.s32 $0x80;
	v10 =	vld [tilespmem:s31+$0x20];
	v30 =	vor.u32 v4, v13;
	[tilespmem:v24+s26+$0x0] =	vst.idx.msk vm2, v27;
	vm2 =	vlt.s32 v25, $0xC380  }
0x45: {  	vm7 =	vmmov vm7;
	v15 =	vld [tilespmem:s31+$0xFFFFFFC0];
	[tilespmem:v26+s26+$0x0] =	vst.idx.msk vm5, v18;
	v18 =	vmov s6;
	vm5 =	vlt.s32 v29, $0xC380  }
0x46: {  	v19 =	vmul.f32 v19, v9;
	v17 =	vmul.f32 v20, v9;
	v24 =	vld.idx.msk [tilespmem:v14+s19+$0x0], vm0;
	v18 =	vshrl.u32 v18, $0x7  }
0x47: {  	v22 =	vld.idx.msk [tilespmem:v22+s19+$0x0], vm3;
	v14 =	vor.u32 v0, v13;
	v12 =	vor.u32 v5, v13;
	v18 =	vshll.u32 v18, $0x7  }
0x48: {  	v20 =	vld.idx.msk [tilespmem:v21+s19+$0x0], vm1;
	v13 =	vor.u32 v6, v13;
	[tilespmem:v28+s26+$0x0] =	vst.idx.msk vm6, v19;
	vm6 =	vmmov vm9;
	v18 =	vbroadcast v18, $0x0  }
0x49: {  	[tilespmem:v30+s26+$0x0] =	vst.idx.msk vm8, v17;
	vm9 =	vlt.s32 v11, $0xC380;
	vm8 =	vlt.s32 v10, $0xC380;
	v17 =	vmul.f32 v31, v9;
	v23 =	vld.idx.msk [tilespmem:v23+s19+$0x0], vm4  }
0x4a: {  	vm10 =	vlt.s32 v15, $0xC380;
	v19 =	vor.u32 v0, v18;
	v26 =	vor.u32 v7, v18;
	v21 =	vld.idx.msk [tilespmem:v25+s19+$0x0], vm2  }
0x4b: {  	s3 =	simm.s32 $0x8;
	s20 =	simm.s32 $0x18C40;
	v28 =	vmul.f32 v24, v9;
	v27 =	vor.u32 v1, v18;
	v24 =	vor.u32 v2, v18;
	v25 =	vld.idx.msk [tilespmem:v29+s19+$0x0], vm5  }
.LBB2_3:
0x4c: {  	v29 =	vld [tilespmem:s20+$0x30];
	s3 =	sadd.s32 $0x8, s3;
	v30 =	vor.u32 v3, v18;
	v31 =	vor.u32 v4, v18;
	v16 =	vmul.f32 v16, v9  }
0x4d: {  	v33 =	vor.u32 v5, v18;
	v18 =	vor.u32 v6, v18;
	v20 =	vmul.f32 v20, v9;
	v32 =	vld [tilespmem:s20+$0xFFFFFFD0];
	p2 =	slt.u32 s3, $0xF8  }
0x4e: {  	v22 =	vmul.f32 v22, v9;
	v34 =	vld [tilespmem:s20+$0xFFFFFFE0];
	[tilespmem:v14+s26+$0x0] =	vst.idx.msk vm0, v28;
	v14 =	vmov v19;
	vm0 =	vmmov vm10  }
0x4f: {  	v19 =	vmul.f32 v23, v9;
	v28 =	vld [tilespmem:s20+$0xFFFFFFF0];
	[tilespmem:v26+s26+$0x0] =	vst.idx.msk vm1, v20  }
0x50: {  	v20 =	vmul.f32 v21, v9;
	v35 =	vld [tilespmem:s20+$0x0];
	[tilespmem:v27+s26+$0x0] =	vst.idx.msk vm3, v22  }
0x51: {  	v21 =	vld [tilespmem:s20+$0x10];
	vm1 =	vlt.s32 v29, $0xC380;
	[tilespmem:v24+s26+$0x0] =	vst.idx.msk vm4, v19;
	v19 =	vmul.f32 v25, v9  }
0x52: {  	vm3 =	vlt.s32 v32, $0xC380;
	v22 =	vld [tilespmem:s20+$0x20];
	[tilespmem:v30+s26+$0x0] =	vst.idx.msk vm2, v20  }
0x53: {  	v23 =	vld [tilespmem:s20+$0xFFFFFFC0];
	vm4 =	vlt.s32 v34, $0xC380;
	[tilespmem:v31+s26+$0x0] =	vst.idx.msk vm5, v19  }
0x54: {  	s6 =	sadd.s32 $0x80, s6;
	vm2 =	vlt.s32 v28, $0xC380;
	v24 =	vld.idx.msk [tilespmem:v15+s19+$0x0], vm10;
	[tilespmem:v12+s26+$0x0] =	vst.idx.msk vm7, v17;
	v12 =	vmov v33;
	vm7 =	vmmov vm9  }
0x55: {  	v15 =	vmov s6;
	vm5 =	vlt.s32 v35, $0xC380;
	v17 =	vld.idx.msk [tilespmem:v11+s19+$0x0], vm9;
	[tilespmem:v13+s26+$0x0] =	vst.idx.msk vm6, v16;
	v13 =	vmovc v18;
	vm6 =	vmmov vm8  }
0x56: {  	v25 =	vshrl.u32 v15, $0x7;
	vm9 =	vlt.s32 v21, $0xC380;
	v16 =	vld.idx.msk [tilespmem:v10+s19+$0x0], vm8;
	v11 =	vmov v21  }
.Ltmp0:
0x57: {  	v19 =	vshll.u32 v25, $0x7;
	vm8 =	vlt.s32 v22, $0xC380;
	v20 =	vld.idx.msk [tilespmem:v29+s19+$0x0], vm1;
	v10 =	vmov v22;
	(pc) =	sbr.rel @p2 .LBB2_3-.Ltmp0, $4  }
0x58: {  	v18 =	vbroadcast v19, $0x0;
	vm10 =	vlt.s32 v23, $0xC380;
	v22 =	vld.idx.msk [tilespmem:v32+s19+$0x0], vm3;
	v15 =	vmov v23  }
0x59: {  	v23 =	vld.idx.msk [tilespmem:v34+s19+$0x0], vm4  }
0x5a: {  	v19 =	vor.u32 v0, v18;
	v26 =	vor.u32 v7, v18;
	v21 =	vld.idx.msk [tilespmem:v28+s19+$0x0], vm2;
	v28 =	vmul.f32 v24, v9  }
0x5b: {  	s20 =	sadd.s32 $0x80, s20;
	v27 =	vor.u32 v1, v18;
	v24 =	vor.u32 v2, v18;
	v17 =	vmul.f32 v17, v9;
	v25 =	vld.idx.msk [tilespmem:v35+s19+$0x0], vm5  }
0x5c: {  	_ =	sdelay $0x1  }
0x5d: {  	vm10 =	vmmov vm10;
	_ =	sdelay $0x2  }
0x5e: {  	v29 =	vor.u32 v3, v18;
	v20 =	vmul.f32 v20, v9;
	[tilespmem:v14+s26+$0x0] =	vst.idx.msk vm0, v28  }
0x5f: {  	v30 =	vor.u32 v4, v18;
	v11 =	vld.idx.msk [tilespmem:v11+s19+$0x0], vm9;
	v16 =	vmul.f32 v16, v9;
	[tilespmem:v12+s26+$0x0] =	vst.idx.msk vm7, v17  }
0x60: {  	v10 =	vld.idx.msk [tilespmem:v10+s19+$0x0], vm8;
	v22 =	vmul.f32 v22, v9;
	v14 =	vmul.f32 v23, v9;
	[tilespmem:v26+s26+$0x0] =	vst.idx.msk vm1, v20  }
0x61: {  	[tilespmem:v13+s26+$0x0] =	vst.idx.msk vm6, v16;
	v20 =	vmul.f32 v21, v9;
	v21 =	vor.u32 v5, v18;
	v15 =	vld.idx.msk [tilespmem:v15+s19+$0x0], vm10  }
0x62: {  	[tilespmem:v27+s26+$0x0] =	vst.idx.msk vm3, v22;
	v18 =	vor.u32 v6, v18  }
0x63: {  	[tilespmem:v24+s26+$0x0] =	vst.idx.msk vm4, v14;
	v14 =	vmul.f32 v25, v9  }
0x64: {  	[tilespmem:v29+s26+$0x0] =	vst.idx.msk vm2, v20;
	v11 =	vmul.f32 v11, v9  }
0x65: {  	v10 =	vmul.f32 v10, v9;
	[tilespmem:v30+s26+$0x0] =	vst.idx.msk vm5, v14  }
0x66: {  	[tilespmem:v21+s26+$0x0] =	vst.idx.msk vm9, v11;
	v12 =	vmul.f32 v15, v9  }
0x67: {  	[tilespmem:v18+s26+$0x0] =	vst.idx.msk vm8, v10  }
0x68: {  	[tilespmem:v19+s26+$0x0] =	vst.idx.msk vm10, v12  }
0x69: {  	_ =	swait.ge [sflag:s28], $0x1000  }
0x6a: {  	[sflag:s28] =	ssyncset.done $0x0  }
0x6b: {  	s3 =	simm.s32 @!p1 $0x6;
	[sflag:s28] =	ssyncadd.s32 $0xFFFFF000  }
0x6c: {  	[tilespmem:s21], [sflag:$0x3] =	stream.linear.gather [spmem:s11], $0x1000, $0x38;
	[tilespmem:$0x1EB00] =	vst v63  }
0x6d: {  	_ =	swait.ge @!p1 [sflag:s3], $0x1000  }
0x6e: {  	[sflag:s3] =	ssyncset.done @!p1 $0x0  }
0x6f: {  	s31 =	simm.s32 $0x19B40;
	[sflag:s3] =	ssyncadd.s32 @!p1 $0xFFFFF000  }
0x70: {  	v11 =	vld [tilespmem:s31+$0xFFFFFFC0]  }
0x71: {  	v12 =	vld [tilespmem:s31+$0xFFFFFFE0]  }
0x72: {  	v13 =	vld [tilespmem:s31+$0xFFFFFFD0]  }
0x73: {  	v14 =	vld [tilespmem:s31+$0x20]  }
0x74: {  	s2 =	simm.s32 $0x1030;
	vm1 =	vmmov vm8;
	v18 =	vld [tilespmem:s31+$0x10]  }
0x75: {  	vm0 =	vmmov vm9;
	s20 =	simm.s32 $0x1010;
	s9 =	simm.s32 $0x1040;
	v17 =	vmov s2;
	v22 =	vld [tilespmem:s31+$0xFFFFFFF0];
	vm1 =	vlt.s32 v11, $0xC380  }
0x76: {  	v16 =	vmov s20;
	v23 =	vmov s9;
	vm0 =	vlt.s32 v12, $0xC380  }
0x77: {  	v17 =	vshrl.u32 v17, $0x7;
	v16 =	vshrl.u32 v16, $0x7;
	v26 =	vld [tilespmem:s31+$0x0];
	vm2 =	vlt.s32 v13, $0xC380  }
0x78: {  	v23 =	vshrl.u32 v23, $0x7;
	v17 =	vshll.u32 v17, v8;
	vm5 =	vlt.s32 v14, $0xC380  }
0x79: {  	s30 =	simm.s32 $0x1060;
	s7 =	simm.s32 $0x1050;
	v16 =	vshll.u32 v16, v8;
	v17 =	vbroadcast v17, $0x0;
	vm7 =	vlt.s32 v18, $0xC380  }
0x7a: {  	s0 =	simm.s32 $0x1020;
	v20 =	vmov s30;
	v19 =	vmov s7;
	v10 =	vld [tilespmem:s31+$0x30];
	vm4 =	vlt.s32 v22, $0xC380  }
0x7b: {  	s6 =	simm.s32 $0x1000;
	v20 =	vshrl.u32 v20, $0x7;
	v21 =	vmov s0;
	v19 =	vshrl.u32 v19, $0x7;
	v25 =	vld.idx.msk [tilespmem:v11+s19+$0x0], vm1  }
0x7c: {  	v15 =	vmov s6;
	v24 =	vshll.u32 v19, v8;
	vm3 =	vlt.s32 v26, $0xC380;
	v19 =	vld.idx.msk [tilespmem:v12+s19+$0x0], vm0  }
0x7d: {  	v11 =	vshll.u32 v23, v8;
	v23 =	vshll.u32 v20, v8;
	v12 =	vshrl.u32 v15, $0x7;
	v15 =	vld.idx.msk [tilespmem:v13+s19+$0x0], vm2  }
0x7e: {  	v13 =	vshrl.u32 v21, $0x7;
	v20 =	vbroadcast v11, $0x0;
	v21 =	vshll.u32 v12, v8;
	v12 =	vld.idx.msk [tilespmem:v14+s19+$0x0], vm5  }
0x7f: {  	s31 =	simm.s32 $0x1070;
	v11 =	vbroadcast v24, $0x0;
	v23 =	vbroadcast v23, $0x0;
	v14 =	vshll.u32 v13, v8;
	v13 =	vld.idx.msk [tilespmem:v18+s19+$0x0], vm7  }
0x80: {  	vm6 =	vlt.s32 v10, $0xC380;
	v18 =	vld.idx.msk [tilespmem:v22+s19+$0x0], vm4;
	v22 =	vmov s31;
	v27 =	vbroadcast v21, $0x0  }
0x81: {  	v24 =	vbroadcast v14, $0x0;
	v11 =	vor.u32 v5, v11;
	v14 =	vor.u32 v6, v23  }
0x82: {  	s20 =	simm.s32 $0x10F0;
	s6 =	simm.s32 $0x0;
	s3 =	simm.s32 $0x19BC0;
	v23 =	vor.u32 v0, v27;
	v21 =	vmul.f32 v25, v9;
	v25 =	vbroadcast v16, $0x0;
	v16 =	vld.idx.msk [tilespmem:v26+s19+$0x0], vm3  }
.LBB2_5:
0x83: {  	v19 =	vmul.f32 v19, v9;
	v17 =	vor.u32 v3, v17;
	v20 =	vor.u32 v4, v20  }
0x84: {  	v26 =	vld [tilespmem:s3+$0xFFFFFFC0];
	s30 =	sadd.s32 $0xFFFFFF90, s20;
	s31 =	sadd.s32 $0xFFFFFFA0, s20;
	s2 =	sadd.s32 $0xFFFFFFF0, s20;
	vm8 =	vmmov vm6;
	vm10 =	vmmov vm5;
	vm9 =	vmmov vm7  }
0x85: {  	s0 =	sadd.s32 $0xFFFFFFD0, s20;
	v27 =	vmov s30;
	v28 =	vmov s31;
	s30 =	sadd.s32 $0xFFFFFFB0, s20;
	s31 =	sadd.s32 $0xFFFFFFC0, s20;
	v29 =	vld [tilespmem:s3+$0x30];
	v25 =	vor.u32 v1, v25  }
0x86: {  	s6 =	sadd.s32 $0x8, s6;
	v24 =	vor.u32 v2, v24;
	v30 =	vld [tilespmem:s3+$0xFFFFFFE0];
	v31 =	vmov s30;
	v32 =	vmov s31;
	s30 =	sadd.s32 $0xFFFFFFE0, s20  }
0x87: {  	v15 =	vmul.f32 v15, v9;
	v35 =	vmov s2;
	p2 =	slt.u32 s6, $0xF8;
	v33 =	vld [tilespmem:s3+$0xFFFFFFD0];
	v34 =	vmov s30  }
0x88: {  	v36 =	vmov s0;
	v28 =	vshrl.u32 v28, $0x7;
	v35 =	vshrl.u32 v35, $0x7;
	v37 =	vld [tilespmem:s3+$0x20];
	[tilespmem:v23+s26+$0x0] =	vst.idx.msk vm1, v21  }
0x89: {  	v18 =	vmul.f32 v18, v9;
	v21 =	vshrl.u32 v32, $0x7;
	vm1 =	vlt.s32 v26, $0xC380;
	v23 =	vld [tilespmem:s3+$0x10]  }
0x8a: {  	v36 =	vshrl.u32 v36, $0x7;
	v28 =	vshll.u32 v28, v8;
	v34 =	vshrl.u32 v34, $0x7;
	v32 =	vld [tilespmem:s3+$0xFFFFFFF0];
	[tilespmem:v25+s26+$0x0] =	vst.idx.msk vm2, v15  }
0x8b: {  	vm6 =	vlt.s32 v29, $0xC380;
	v15 =	vshrl.u32 v22, $0x7;
	v38 =	vld [tilespmem:s3+$0x0];
	[tilespmem:v24+s26+$0x0] =	vst.idx.msk vm0, v19;
	vm0 =	vlt.s32 v30, $0xC380  }
0x8c: {  	v16 =	vmul.f32 v16, v9;
	v22 =	vshll.u32 v34, v8;
	vm2 =	vlt.s32 v33, $0xC380;
	[tilespmem:v17+s26+$0x0] =	vst.idx.msk vm4, v18  }
0x8d: {  	v15 =	vshll.u32 v15, v8;
	v18 =	vshll.u32 v36, v8;
	vm5 =	vlt.s32 v37, $0xC380  }
0x8e: {  	v17 =	vshll.u32 v21, v8;
	v15 =	vbroadcast v15, $0x0;
	vm7 =	vlt.s32 v23, $0xC380;
	[tilespmem:v20+s26+$0x0] =	vst.idx.msk vm3, v16;
	v16 =	vld.idx.msk [tilespmem:v10+s19+$0x0], vm8  }
0x8f: {  	v24 =	vshll.u32 v35, v8;
	v17 =	vbroadcast v17, $0x0;
	v10 =	vmovc v29;
	v21 =	vld.idx.msk [tilespmem:v26+s19+$0x0], vm1;
	vm4 =	vlt.s32 v32, $0xC380  }
0x90: {  	v12 =	vmul.f32 v12, v9;
	v20 =	vbroadcast v18, $0x0;
	vm3 =	vlt.s32 v38, $0xC380  }
0x91: {  	v13 =	vmul.f32 v13, v9;
	v18 =	vbroadcast v22, $0x0;
	v26 =	vor.u32 v7, v15;
	v19 =	vld.idx.msk [tilespmem:v30+s19+$0x0], vm0  }
.Ltmp1:
0x92: {  	v25 =	vshrl.u32 v31, $0x7;
	v22 =	vshrl.u32 v27, $0x7;
	v27 =	vbroadcast v24, $0x0;
	v15 =	vld.idx.msk [tilespmem:v33+s19+$0x0], vm2;
	[tilespmem:v14+s26+$0x0] =	vst.idx.msk vm10, v12;
	(pc) =	sbr.rel @p2 .LBB2_5-.Ltmp1, $4  }
0x93: {  	v14 =	vshll.u32 v22, v8;
	v12 =	vld.idx.msk [tilespmem:v37+s19+$0x0], vm5;
	[tilespmem:v11+s26+$0x0] =	vst.idx.msk vm9, v13;
	v11 =	vor.u32 v5, v18  }
0x94: {  	v22 =	vbroadcast v14, $0x0;
	v14 =	vshll.u32 v25, v8;
	v29 =	vmul.f32 v16, v9;
	v13 =	vld.idx.msk [tilespmem:v23+s19+$0x0], vm7  }
0x95: {  	v21 =	vmul.f32 v21, v9;
	v24 =	vbroadcast v14, $0x0;
	v14 =	vor.u32 v6, v27;
	v18 =	vld.idx.msk [tilespmem:v32+s19+$0x0], vm4  }
0x96: {  	s3 =	sadd.s32 $0x80, s3;
	v25 =	vbroadcast v28, $0x0;
	v23 =	vor.u32 v0, v22;
	v22 =	vmov s20;
	s20 =	sadd.s32 $0x80, s20;
	v16 =	vld.idx.msk [tilespmem:v38+s19+$0x0], vm3;
	[tilespmem:v26+s26+$0x0] =	vst.idx.msk vm8, v29  }
0x97: {  	vm6 =	vmmov vm6;
	_ =	sdelay $0x1  }
0x98: {  	v24 =	vor.u32 v2, v24  }
0x99: {  	v17 =	vor.u32 v3, v17;
	v25 =	vor.u32 v1, v25  }
0x9a: {  	v20 =	vor.u32 v4, v20;
	v22 =	vshrl.u32 v22, $0x7;
	vm5 =	vmmov vm5  }
0x9b: {  	v19 =	vmul.f32 v19, v9;
	vm7 =	vmmov vm7;
	v22 =	vshll.u32 v22, v8  }
0x9c: {  	v15 =	vmul.f32 v15, v9;
	[tilespmem:v23+s26+$0x0] =	vst.idx.msk vm1, v21;
	v21 =	vbroadcast v22, $0x0;
	v10 =	vld.idx.msk [tilespmem:v10+s19+$0x0], vm6  }
0x9d: {  	v12 =	vmul.f32 v12, v9;
	v18 =	vmul.f32 v18, v9;
	[tilespmem:v24+s26+$0x0] =	vst.idx.msk vm0, v19  }
0x9e: {  	[tilespmem:v25+s26+$0x0] =	vst.idx.msk vm2, v15;
	v15 =	vmul.f32 v16, v9;
	v16 =	vor.u32 v7, v21  }
0x9f: {  	v13 =	vmul.f32 v13, v9;
	[tilespmem:v17+s26+$0x0] =	vst.idx.msk vm4, v18  }
0xa0: {  	[tilespmem:v14+s26+$0x0] =	vst.idx.msk vm5, v12  }
0xa1: {  	[tilespmem:v11+s26+$0x0] =	vst.idx.msk vm7, v13;
	v10 =	vmul.f32 v10, v9  }
0xa2: {  	[tilespmem:v20+s26+$0x0] =	vst.idx.msk vm3, v15  }
0xa3: {  	[tilespmem:v16+s26+$0x0] =	vst.idx.msk vm6, v10  }
0xa4: {  	_ =	swait.ge [sflag:s24], $0x1000  }
0xa5: {  	[sflag:s24] =	ssyncset.done $0x0  }
0xa6: {  	s0 =	simm.s32 @!p1 $0x7;
	[sflag:s24] =	ssyncadd.s32 $0xFFFFF000  }
0xa7: {  	[tilespmem:s25], [sflag:$0x4] =	stream.linear.gather [spmem:s12], $0x1000, $0x38;
	[tilespmem:$0x1EB00] =	vst v63  }
0xa8: {  	_ =	swait.ge @!p1 [sflag:s0], $0x1000  }
0xa9: {  	[sflag:s0] =	ssyncset.done @!p1 $0x0  }
0xaa: {  	s31 =	simm.s32 $0x18B40;
	[sflag:s0] =	ssyncadd.s32 @!p1 $0xFFFFF000  }
0xab: {  	v11 =	vld [tilespmem:s31+$0xFFFFFFC0]  }
0xac: {  	v12 =	vld [tilespmem:s31+$0xFFFFFFE0]  }
0xad: {  	v13 =	vld [tilespmem:s31+$0xFFFFFFD0]  }
0xae: {  	v14 =	vld [tilespmem:s31+$0x20]  }
0xaf: {  	s30 =	simm.s32 $0x2040;
	v18 =	vld [tilespmem:s31+$0x10]  }
0xb0: {  	s9 =	simm.s32 $0x2030;
	v23 =	vmov s30;
	v22 =	vld [tilespmem:s31+$0xFFFFFFF0];
	vm1 =	vlt.s32 v11, $0xC380  }
0xb1: {  	s7 =	simm.s32 $0x2020;
	s20 =	simm.s32 $0x2050;
	v23 =	vshrl.u32 v23, $0x7;
	v17 =	vmov s9;
	vm0 =	vlt.s32 v12, $0xC380  }
0xb2: {  	v19 =	vmov s20;
	v21 =	vmov s7;
	v26 =	vld [tilespmem:s31+$0x0];
	vm2 =	vlt.s32 v13, $0xC380  }
0xb3: {  	v17 =	vshrl.u32 v17, $0x7;
	v19 =	vshrl.u32 v19, $0x7;
	vm5 =	vlt.s32 v14, $0xC380  }
0xb4: {  	s2 =	simm.s32 $0x2000;
	s3 =	simm.s32 $0x2010;
	v24 =	vshll.u32 v19, v8;
	v17 =	vshll.u32 v17, v8;
	vm7 =	vlt.s32 v18, $0xC380  }
0xb5: {  	s6 =	simm.s32 $0x2060;
	v15 =	vmov s2;
	v16 =	vmov s3;
	v10 =	vld [tilespmem:s31+$0x30];
	vm4 =	vlt.s32 v22, $0xC380  }
0xb6: {  	v20 =	vmov s6;
	v17 =	vbroadcast v17, $0x0;
	v16 =	vshrl.u32 v16, $0x7;
	v25 =	vld.idx.msk [tilespmem:v11+s19+$0x0], vm1  }
0xb7: {  	v20 =	vshrl.u32 v20, $0x7;
	v16 =	vshll.u32 v16, v8;
	vm3 =	vlt.s32 v26, $0xC380;
	v19 =	vld.idx.msk [tilespmem:v12+s19+$0x0], vm0  }
0xb8: {  	v11 =	vshll.u32 v23, v8;
	v23 =	vshll.u32 v20, v8;
	v12 =	vshrl.u32 v15, $0x7;
	v15 =	vld.idx.msk [tilespmem:v13+s19+$0x0], vm2  }
0xb9: {  	v13 =	vshrl.u32 v21, $0x7;
	v20 =	vbroadcast v11, $0x0;
	v21 =	vshll.u32 v12, v8;
	v12 =	vld.idx.msk [tilespmem:v14+s19+$0x0], vm5  }
0xba: {  	s31 =	simm.s32 $0x2070;
	v11 =	vbroadcast v24, $0x0;
	v23 =	vbroadcast v23, $0x0;
	v14 =	vshll.u32 v13, v8;
	v13 =	vld.idx.msk [tilespmem:v18+s19+$0x0], vm7  }
0xbb: {  	vm6 =	vlt.s32 v10, $0xC380;
	v18 =	vld.idx.msk [tilespmem:v22+s19+$0x0], vm4;
	v22 =	vmov s31;
	v27 =	vbroadcast v21, $0x0  }
0xbc: {  	v24 =	vbroadcast v14, $0x0;
	v11 =	vor.u32 v5, v11;
	v14 =	vor.u32 v6, v23  }
0xbd: {  	s20 =	simm.s32 $0x20F0;
	s6 =	simm.s32 $0x0;
	s3 =	simm.s32 $0x18BC0;
	v23 =	vor.u32 v0, v27;
	v21 =	vmul.f32 v25, v9;
	v25 =	vbroadcast v16, $0x0;
	v16 =	vld.idx.msk [tilespmem:v26+s19+$0x0], vm3  }
.LBB2_7:
0xbe: {  	v19 =	vmul.f32 v19, v9;
	v17 =	vor.u32 v3, v17;
	v20 =	vor.u32 v4, v20  }
0xbf: {  	v26 =	vld [tilespmem:s3+$0xFFFFFFC0];
	s0 =	sadd.s32 $0xFFFFFF90, s20;
	s2 =	sadd.s32 $0xFFFFFFA0, s20;
	s30 =	sadd.s32 $0xFFFFFFF0, s20;
	vm8 =	vmmov vm6;
	vm10 =	vmmov vm5;
	vm9 =	vmmov vm7  }
0xc0: {  	s31 =	sadd.s32 $0xFFFFFFD0, s20;
	v27 =	vmov s0;
	v28 =	vmov s2;
	s0 =	sadd.s32 $0xFFFFFFB0, s20;
	s2 =	sadd.s32 $0xFFFFFFC0, s20;
	v29 =	vld [tilespmem:s3+$0x30];
	v25 =	vor.u32 v1, v25  }
0xc1: {  	s6 =	sadd.s32 $0x8, s6;
	v24 =	vor.u32 v2, v24;
	v30 =	vld [tilespmem:s3+$0xFFFFFFE0];
	v31 =	vmov s0;
	v32 =	vmov s2;
	s0 =	sadd.s32 $0xFFFFFFE0, s20  }
0xc2: {  	v15 =	vmul.f32 v15, v9;
	v35 =	vmov s30;
	p2 =	slt.u32 s6, $0xF8;
	v33 =	vld [tilespmem:s3+$0xFFFFFFD0];
	v34 =	vmov s0  }
0xc3: {  	v36 =	vmov s31;
	v28 =	vshrl.u32 v28, $0x7;
	v35 =	vshrl.u32 v35, $0x7;
	v37 =	vld [tilespmem:s3+$0x20];
	[tilespmem:v23+s26+$0x0] =	vst.idx.msk vm1, v21  }
0xc4: {  	v18 =	vmul.f32 v18, v9;
	v21 =	vshrl.u32 v32, $0x7;
	vm1 =	vlt.s32 v26, $0xC380;
	v23 =	vld [tilespmem:s3+$0x10]  }
0xc5: {  	v36 =	vshrl.u32 v36, $0x7;
	v28 =	vshll.u32 v28, v8;
	v34 =	vshrl.u32 v34, $0x7;
	v32 =	vld [tilespmem:s3+$0xFFFFFFF0];
	[tilespmem:v25+s26+$0x0] =	vst.idx.msk vm2, v15  }
0xc6: {  	vm6 =	vlt.s32 v29, $0xC380;
	v15 =	vshrl.u32 v22, $0x7;
	v38 =	vld [tilespmem:s3+$0x0];
	[tilespmem:v24+s26+$0x0] =	vst.idx.msk vm0, v19;
	vm0 =	vlt.s32 v30, $0xC380  }
0xc7: {  	v16 =	vmul.f32 v16, v9;
	v22 =	vshll.u32 v34, v8;
	vm2 =	vlt.s32 v33, $0xC380;
	[tilespmem:v17+s26+$0x0] =	vst.idx.msk vm4, v18  }
0xc8: {  	v15 =	vshll.u32 v15, v8;
	v18 =	vshll.u32 v36, v8;
	vm5 =	vlt.s32 v37, $0xC380  }
0xc9: {  	v17 =	vshll.u32 v21, v8;
	v15 =	vbroadcast v15, $0x0;
	vm7 =	vlt.s32 v23, $0xC380;
	[tilespmem:v20+s26+$0x0] =	vst.idx.msk vm3, v16;
	v16 =	vld.idx.msk [tilespmem:v10+s19+$0x0], vm8  }
0xca: {  	v24 =	vshll.u32 v35, v8;
	v17 =	vbroadcast v17, $0x0;
	v10 =	vmovc v29;
	v21 =	vld.idx.msk [tilespmem:v26+s19+$0x0], vm1;
	vm4 =	vlt.s32 v32, $0xC380  }
0xcb: {  	v12 =	vmul.f32 v12, v9;
	v20 =	vbroadcast v18, $0x0;
	vm3 =	vlt.s32 v38, $0xC380  }
0xcc: {  	v13 =	vmul.f32 v13, v9;
	v18 =	vbroadcast v22, $0x0;
	v26 =	vor.u32 v7, v15;
	v19 =	vld.idx.msk [tilespmem:v30+s19+$0x0], vm0  }
.Ltmp2:
0xcd: {  	v25 =	vshrl.u32 v31, $0x7;
	v22 =	vshrl.u32 v27, $0x7;
	v27 =	vbroadcast v24, $0x0;
	v15 =	vld.idx.msk [tilespmem:v33+s19+$0x0], vm2;
	[tilespmem:v14+s26+$0x0] =	vst.idx.msk vm10, v12;
	(pc) =	sbr.rel @p2 .LBB2_7-.Ltmp2, $4  }
0xce: {  	v14 =	vshll.u32 v22, v8;
	v12 =	vld.idx.msk [tilespmem:v37+s19+$0x0], vm5;
	[tilespmem:v11+s26+$0x0] =	vst.idx.msk vm9, v13;
	v11 =	vor.u32 v5, v18  }
0xcf: {  	v22 =	vbroadcast v14, $0x0;
	v14 =	vshll.u32 v25, v8;
	v29 =	vmul.f32 v16, v9;
	v13 =	vld.idx.msk [tilespmem:v23+s19+$0x0], vm7  }
0xd0: {  	v21 =	vmul.f32 v21, v9;
	v24 =	vbroadcast v14, $0x0;
	v14 =	vor.u32 v6, v27;
	v18 =	vld.idx.msk [tilespmem:v32+s19+$0x0], vm4  }
0xd1: {  	s3 =	sadd.s32 $0x80, s3;
	v25 =	vbroadcast v28, $0x0;
	v23 =	vor.u32 v0, v22;
	v22 =	vmov s20;
	s20 =	sadd.s32 $0x80, s20;
	v16 =	vld.idx.msk [tilespmem:v38+s19+$0x0], vm3;
	[tilespmem:v26+s26+$0x0] =	vst.idx.msk vm8, v29  }
0xd2: {  	vm6 =	vmmov vm6;
	_ =	sdelay $0x1  }
0xd3: {  	v24 =	vor.u32 v2, v24  }
0xd4: {  	v17 =	vor.u32 v3, v17;
	v25 =	vor.u32 v1, v25  }
0xd5: {  	v20 =	vor.u32 v4, v20;
	v22 =	vshrl.u32 v22, $0x7;
	vm5 =	vmmov vm5  }
0xd6: {  	v19 =	vmul.f32 v19, v9;
	vm7 =	vmmov vm7;
	v22 =	vshll.u32 v22, v8  }
0xd7: {  	v15 =	vmul.f32 v15, v9;
	[tilespmem:v23+s26+$0x0] =	vst.idx.msk vm1, v21;
	v21 =	vbroadcast v22, $0x0;
	v10 =	vld.idx.msk [tilespmem:v10+s19+$0x0], vm6  }
0xd8: {  	v12 =	vmul.f32 v12, v9;
	v18 =	vmul.f32 v18, v9;
	[tilespmem:v24+s26+$0x0] =	vst.idx.msk vm0, v19  }
0xd9: {  	[tilespmem:v25+s26+$0x0] =	vst.idx.msk vm2, v15;
	v15 =	vmul.f32 v16, v9;
	v16 =	vor.u32 v7, v21  }
0xda: {  	v13 =	vmul.f32 v13, v9;
	[tilespmem:v17+s26+$0x0] =	vst.idx.msk vm4, v18  }
0xdb: {  	[tilespmem:v14+s26+$0x0] =	vst.idx.msk vm5, v12  }
0xdc: {  	[tilespmem:v11+s26+$0x0] =	vst.idx.msk vm7, v13;
	v10 =	vmul.f32 v10, v9  }
0xdd: {  	[tilespmem:v20+s26+$0x0] =	vst.idx.msk vm3, v15  }
0xde: {  	[tilespmem:v16+s26+$0x0] =	vst.idx.msk vm6, v10  }
0xdf: {  	_ =	swait.ge [sflag:s28], $0x1000  }
0xe0: {  	[sflag:s28] =	ssyncset.done $0x0  }
0xe1: {  	s0 =	simm.s32 @!p1 $0x8;
	[sflag:s28] =	ssyncadd.s32 $0xFFFFF000  }
0xe2: {  	[tilespmem:s21], [sflag:$0x3] =	stream.linear.gather [spmem:s4], $0x1000, $0x38;
	[tilespmem:$0x1EB00] =	vst v63  }
0xe3: {  	_ =	swait.ge @!p1 [sflag:s0], $0x1000  }
0xe4: {  	[sflag:s0] =	ssyncset.done @!p1 $0x0  }
0xe5: {  	s31 =	simm.s32 $0x19B40;
	[sflag:s0] =	ssyncadd.s32 @!p1 $0xFFFFF000  }
0xe6: {  	v11 =	vld [tilespmem:s31+$0xFFFFFFC0]  }
0xe7: {  	v12 =	vld [tilespmem:s31+$0xFFFFFFE0]  }
0xe8: {  	v13 =	vld [tilespmem:s31+$0xFFFFFFD0]  }
0xe9: {  	s9 =	simm.s32 $0x3030;
	s20 =	simm.s32 $0x3050;
	s30 =	simm.s32 $0x3040;
	v14 =	vld [tilespmem:s31+$0x20]  }
0xea: {  	s7 =	simm.s32 $0x3020;
	v23 =	vmov s30;
	v17 =	vmov s9;
	v19 =	vmov s20;
	v18 =	vld [tilespmem:s31+$0x10]  }
0xeb: {  	v21 =	vmov s7;
	v17 =	vshrl.u32 v17, $0x7;
	v22 =	vld [tilespmem:s31+$0xFFFFFFF0];
	vm1 =	vlt.s32 v11, $0xC380  }
0xec: {  	s2 =	simm.s32 $0x3000;
	s6 =	simm.s32 $0x3060;
	v19 =	vshrl.u32 v19, $0x7;
	v17 =	vshll.u32 v17, v8;
	v26 =	vld [tilespmem:s31+$0x0];
	vm0 =	vlt.s32 v12, $0xC380  }
0xed: {  	s3 =	simm.s32 $0x3010;
	v15 =	vmov s2;
	v20 =	vmov s6;
	vm2 =	vlt.s32 v13, $0xC380  }
0xee: {  	v17 =	vbroadcast v17, $0x0;
	v16 =	vmov s3;
	vm5 =	vlt.s32 v14, $0xC380  }
0xef: {  	v20 =	vshrl.u32 v20, $0x7;
	v16 =	vshrl.u32 v16, $0x7;
	vm7 =	vlt.s32 v18, $0xC380  }
0xf0: {  	v27 =	vshll.u32 v20, v8;
	v25 =	vshll.u32 v16, v8;
	v10 =	vld [tilespmem:s31+$0x30];
	vm4 =	vlt.s32 v22, $0xC380  }
0xf1: {  	v16 =	vshrl.u32 v23, $0x7;
	v23 =	vshll.u32 v19, v8;
	vm3 =	vlt.s32 v26, $0xC380;
	v24 =	vld.idx.msk [tilespmem:v11+s19+$0x0], vm1  }
0xf2: {  	v25 =	vbroadcast v25, $0x0;
	v11 =	vshll.u32 v16, v8;
	v19 =	vld.idx.msk [tilespmem:v12+s19+$0x0], vm0;
	v12 =	vshrl.u32 v15, $0x7  }
0xf3: {  	v16 =	vld.idx.msk [tilespmem:v13+s19+$0x0], vm2;
	v13 =	vshrl.u32 v21, $0x7;
	v20 =	vbroadcast v11, $0x0;
	v21 =	vshll.u32 v12, v8  }
0xf4: {  	v11 =	vbroadcast v23, $0x0;
	v12 =	vld.idx.msk [tilespmem:v14+s19+$0x0], vm5;
	v23 =	vbroadcast v21, $0x0  }
0xf5: {  	s31 =	simm.s32 $0x3070;
	vm6 =	vlt.s32 v10, $0xC380;
	v15 =	vbroadcast v27, $0x0;
	v14 =	vshll.u32 v13, v8;
	v13 =	vld.idx.msk [tilespmem:v18+s19+$0x0], vm7  }
0xf6: {  	v18 =	vld.idx.msk [tilespmem:v22+s19+$0x0], vm4;
	v22 =	vmov s31;
	v11 =	vor.u32 v5, v11;
	v23 =	vor.u32 v0, v23  }
0xf7: {  	s20 =	simm.s32 $0x30F0;
	s6 =	simm.s32 $0x0;
	s3 =	simm.s32 $0x19BC0;
	v21 =	vmul.f32 v24, v9;
	v24 =	vbroadcast v14, $0x0;
	v14 =	vor.u32 v6, v15;
	v15 =	vld.idx.msk [tilespmem:v26+s19+$0x0], vm3  }
.LBB2_9:
0xf8: {  	v19 =	vmul.f32 v19, v9;
	v17 =	vor.u32 v3, v17;
	v20 =	vor.u32 v4, v20  }
0xf9: {  	v26 =	vld [tilespmem:s3+$0xFFFFFFC0];
	s0 =	sadd.s32 $0xFFFFFF90, s20;
	s2 =	sadd.s32 $0xFFFFFFA0, s20;
	s30 =	sadd.s32 $0xFFFFFFF0, s20;
	vm8 =	vmmov vm6;
	vm10 =	vmmov vm5;
	vm9 =	vmmov vm7  }
0xfa: {  	s31 =	sadd.s32 $0xFFFFFFD0, s20;
	v27 =	vmov s0;
	v28 =	vmov s2;
	s0 =	sadd.s32 $0xFFFFFFB0, s20;
	s2 =	sadd.s32 $0xFFFFFFC0, s20;
	v29 =	vld [tilespmem:s3+$0x30];
	v25 =	vor.u32 v1, v25  }
0xfb: {  	s6 =	sadd.s32 $0x8, s6;
	v24 =	vor.u32 v2, v24;
	v30 =	vld [tilespmem:s3+$0xFFFFFFE0];
	v31 =	vmov s0;
	v32 =	vmov s2;
	s0 =	sadd.s32 $0xFFFFFFE0, s20  }
0xfc: {  	v16 =	vmul.f32 v16, v9;
	v35 =	vmov s30;
	p1 =	slt.u32 s6, $0xF8;
	v33 =	vld [tilespmem:s3+$0xFFFFFFD0];
	v34 =	vmov s0  }
0xfd: {  	v36 =	vmov s31;
	v28 =	vshrl.u32 v28, $0x7;
	v35 =	vshrl.u32 v35, $0x7;
	v37 =	vld [tilespmem:s3+$0x20];
	[tilespmem:v23+s26+$0x0] =	vst.idx.msk vm1, v21  }
0xfe: {  	v18 =	vmul.f32 v18, v9;
	v21 =	vshrl.u32 v32, $0x7;
	vm1 =	vlt.s32 v26, $0xC380;
	v23 =	vld [tilespmem:s3+$0x10]  }
0xff: {  	v36 =	vshrl.u32 v36, $0x7;
	v28 =	vshll.u32 v28, v8;
	v34 =	vshrl.u32 v34, $0x7;
	v32 =	vld [tilespmem:s3+$0xFFFFFFF0];
	[tilespmem:v25+s26+$0x0] =	vst.idx.msk vm2, v16  }
0x100: {  	vm6 =	vlt.s32 v29, $0xC380;
	v16 =	vshrl.u32 v22, $0x7;
	v38 =	vld [tilespmem:s3+$0x0];
	[tilespmem:v24+s26+$0x0] =	vst.idx.msk vm0, v19;
	vm0 =	vlt.s32 v30, $0xC380  }
0x101: {  	v15 =	vmul.f32 v15, v9;
	v22 =	vshll.u32 v34, v8;
	vm2 =	vlt.s32 v33, $0xC380;
	[tilespmem:v17+s26+$0x0] =	vst.idx.msk vm4, v18  }
0x102: {  	v16 =	vshll.u32 v16, v8;
	v18 =	vshll.u32 v36, v8;
	vm5 =	vlt.s32 v37, $0xC380  }
0x103: {  	v17 =	vshll.u32 v21, v8;
	v16 =	vbroadcast v16, $0x0;
	vm7 =	vlt.s32 v23, $0xC380;
	[tilespmem:v20+s26+$0x0] =	vst.idx.msk vm3, v15;
	v15 =	vld.idx.msk [tilespmem:v10+s19+$0x0], vm8  }
0x104: {  	v24 =	vshll.u32 v35, v8;
	v17 =	vbroadcast v17, $0x0;
	v10 =	vmovc v29;
	v21 =	vld.idx.msk [tilespmem:v26+s19+$0x0], vm1;
	vm4 =	vlt.s32 v32, $0xC380  }
0x105: {  	v12 =	vmul.f32 v12, v9;
	v20 =	vbroadcast v18, $0x0;
	vm3 =	vlt.s32 v38, $0xC380  }
0x106: {  	v13 =	vmul.f32 v13, v9;
	v18 =	vbroadcast v22, $0x0;
	v26 =	vor.u32 v7, v16;
	v19 =	vld.idx.msk [tilespmem:v30+s19+$0x0], vm0  }
.Ltmp3:
0x107: {  	v25 =	vshrl.u32 v31, $0x7;
	v22 =	vshrl.u32 v27, $0x7;
	v27 =	vbroadcast v24, $0x0;
	v16 =	vld.idx.msk [tilespmem:v33+s19+$0x0], vm2;
	[tilespmem:v14+s26+$0x0] =	vst.idx.msk vm10, v12;
	(pc) =	sbr.rel @p1 .LBB2_9-.Ltmp3, $4  }
0x108: {  	v14 =	vshll.u32 v22, v8;
	v12 =	vld.idx.msk [tilespmem:v37+s19+$0x0], vm5;
	[tilespmem:v11+s26+$0x0] =	vst.idx.msk vm9, v13;
	v11 =	vor.u32 v5, v18  }
0x109: {  	v22 =	vbroadcast v14, $0x0;
	v14 =	vshll.u32 v25, v8;
	v29 =	vmul.f32 v15, v9;
	v13 =	vld.idx.msk [tilespmem:v23+s19+$0x0], vm7  }
0x10a: {  	v21 =	vmul.f32 v21, v9;
	v24 =	vbroadcast v14, $0x0;
	v14 =	vor.u32 v6, v27;
	v18 =	vld.idx.msk [tilespmem:v32+s19+$0x0], vm4  }
0x10b: {  	s3 =	sadd.s32 $0x80, s3;
	v25 =	vbroadcast v28, $0x0;
	v23 =	vor.u32 v0, v22;
	v22 =	vmov s20;
	s20 =	sadd.s32 $0x80, s20;
	v15 =	vld.idx.msk [tilespmem:v38+s19+$0x0], vm3;
	[tilespmem:v26+s26+$0x0] =	vst.idx.msk vm8, v29  }
0x10c: {  	vm6 =	vmmov vm6;
	_ =	sdelay $0x1  }
0x10d: {  	v24 =	vor.u32 v2, v24  }
0x10e: {  	v25 =	vor.u32 v1, v25  }
0x10f: {  	v17 =	vor.u32 v3, v17;
	v20 =	vor.u32 v4, v20;
	v22 =	vshrl.u32 v22, $0x7  }
0x110: {  	vm5 =	vmmov vm5;
	v19 =	vmul.f32 v19, v9;
	v22 =	vshll.u32 v22, v8  }
0x111: {  	v16 =	vmul.f32 v16, v9;
	vm7 =	vmmov vm7;
	[tilespmem:v23+s26+$0x0] =	vst.idx.msk vm1, v21;
	s20 =	sadd.s32 $0x1, s17;
	p1 =	seq.s32 s17, $0x1F;
	v21 =	vbroadcast v22, $0x0;
	v10 =	vld.idx.msk [tilespmem:v10+s19+$0x0], vm6  }
0x112: {  	s0 =	sshrl.u32 @!p1 s20, $0x3;
	v18 =	vmul.f32 v18, v9;
	[tilespmem:v24+s26+$0x0] =	vst.idx.msk vm0, v19  }
0x113: {  	s0 =	smul.u32 @!p1 $0xC3800, s0;
	v15 =	vmul.f32 v15, v9;
	[tilespmem:v25+s26+$0x0] =	vst.idx.msk vm2, v16;
	v16 =	vor.u32 v7, v21  }
0x114: {  	v12 =	vmul.f32 v12, v9;
	s2 =	sshll.u32 @!p1 s20, $0x7;
	[tilespmem:v17+s26+$0x0] =	vst.idx.msk vm4, v18  }
0x115: {  	v13 =	vmul.f32 v13, v9;
	s2 =	sand.u32 @!p1 $0x380, s2;
	s0 =	sadd.s32 @!p1 s14, s0;
	[tilespmem:v20+s26+$0x0] =	vst.idx.msk vm3, v15  }
0x116: {  	s0 =	sor.u32 @!p1 s2, s0;
	[tilespmem:v14+s26+$0x0] =	vst.idx.msk vm5, v12;
	v10 =	vmul.f32 v10, v9  }
0x117: {  	[tilespmem:v11+s26+$0x0] =	vst.idx.msk vm7, v13;
	s0 =	sshrl.u32 @!p1 s0, $0x3  }
0x118: {  	s3 =	simm.s32 @!p1 $0x400;
	s2 =	simm.s32 @!p1 $0x80;
	s0 =	sadd.s32 @!p1 s5, s0;
	[tilespmem:v16+s26+$0x0] =	vst.idx.msk vm6, v10  }
0x119: {  	[tilespmem:s3], [sflag:$0x1] =	stream.strided.gather @!p1 [hbm4b:s0+s2], $0xC380, s3, s2, $0x38;
	[tilespmem:$0x1EB00] =	vst v63  }
0x11a: {  	_ =	swait.ge [sflag:s29], $0xC380  }
0x11b: {  	[sflag:s29] =	ssyncset.done $0x0  }
0x11c: {  	[sflag:s29] =	ssyncadd.s32 $0xFFFF3C80  }
0x11d: {  	_ =	swait.ge [sflag:s24], $0x1000  }
0x11e: {  	[sflag:s24] =	ssyncset.done $0x0  }
0x11f: {  	s17 =	simm.s32 $0x18B40;
	[sflag:s24] =	ssyncadd.s32 $0xFFFFF000  }
0x120: {  	[tilespmem:s25], [sflag:$0x4] =	stream.linear.gather [spmem:s10], $0x1000, $0x38;
	[tilespmem:$0x1EB00] =	vst v63  }
0x121: {  	v10 =	vld [tilespmem:s17+$0x30]  }
0x122: {  	v11 =	vld [tilespmem:s17+$0xFFFFFFD0]  }
0x123: {  	v12 =	vld [tilespmem:s17+$0xFFFFFFE0]  }
0x124: {  	v13 =	vld [tilespmem:s17+$0xFFFFFFF0]  }
0x125: {  	v14 =	vld [tilespmem:s17+$0x0]  }
0x126: {  	v15 =	vld [tilespmem:s17+$0x10]  }
0x127: {  	v16 =	vld [tilespmem:s17+$0x20]  }
0x128: {  	s31 =	simm.s32 $0x18BC0;
	v17 =	vld [tilespmem:s17+$0xFFFFFFC0];
	vm1 =	vgt.s32 v10, $0xC37F  }
0x129: {  	v21 =	vld [tilespmem:s31+$0x30];
	v10 =	vadd.s32 $0xFFFF3C80, v10  }
0x12a: {  	v22 =	vld [tilespmem:s31+$0xFFFFFFD0];
	vm7 =	vgt.s32 v11, $0xC37F;
	v11 =	vadd.s32 $0xFFFF3C80, v11  }
0x12b: {  	v25 =	vld [tilespmem:s31+$0xFFFFFFE0];
	vm10 =	vgt.s32 v12, $0xC37F;
	v12 =	vadd.s32 $0xFFFF3C80, v12;
	vm9 =	vgt.s32 v13, $0xC37F  }
0x12c: {  	v29 =	vld [tilespmem:s31+$0xFFFFFFF0];
	v13 =	vadd.s32 $0xFFFF3C80, v13;
	vm8 =	vgt.s32 v14, $0xC37F;
	v14 =	vadd.s32 $0xFFFF3C80, v14  }
0x12d: {  	s30 =	simm.s32 $0x0;
	v32 =	vld [tilespmem:s31+$0x20];
	vm6 =	vgt.s32 v15, $0xC37F;
	v15 =	vadd.s32 $0xFFFF3C80, v15;
	vm0 =	vgt.s32 v16, $0xC37F  }
0x12e: {  	v16 =	vadd.s32 $0xFFFF3C80, v16;
	vm2 =	vgt.s32 v17, $0xC37F;
	v18 =	vld.idx.msk [tilespmem:v10+s22+$0x0], vm1;
	v10 =	vmov s30  }
0x12f: {  	v17 =	vadd.s32 $0xFFFF3C80, v17;
	vm4 =	vgt.s32 v22, $0xC37F;
	v10 =	vshrl.u32 v10, $0x7  }
0x130: {  	v22 =	vadd.s32 $0xFFFF3C80, v22;
	vm5 =	vgt.s32 v25, $0xC37F;
	v19 =	vld.idx.msk [tilespmem:v11+s22+$0x0], vm7;
	v10 =	vshll.u32 v10, $0x7  }
0x131: {  	v25 =	vadd.s32 $0xFFFF3C80, v25;
	vm3 =	vgt.s32 v29, $0xC37F;
	v20 =	vld.idx.msk [tilespmem:v12+s22+$0x0], vm10;
	v10 =	vbroadcast v10, $0x0  }
0x132: {  	v29 =	vadd.s32 $0xFFFF3C80, v29;
	vm11 =	vmmov vm0;
	vm0 =	vmmov vm2;
	v14 =	vld.idx.msk [tilespmem:v14+s22+$0x0], vm8  }
0x133: {  	v30 =	vld [tilespmem:s31+$0x0];
	vm12 =	vgt.s32 v32, $0xC37F;
	vm2 =	vgt.s32 v21, $0xC37F;
	v23 =	vor.u32 v7, v10  }
0x134: {  	v21 =	vadd.s32 $0xFFFF3C80, v21;
	v13 =	vld.idx.msk [tilespmem:v13+s22+$0x0], vm9;
	v12 =	vor.u32 v0, v10;
	v24 =	vor.u32 v1, v10  }
0x135: {  	v31 =	vld [tilespmem:s31+$0x10];
	v26 =	vor.u32 v2, v10;
	v27 =	vor.u32 v3, v10;
	v28 =	vor.u32 v4, v10  }
0x136: {  	v34 =	vld [tilespmem:s31+$0xFFFFFFC0];
	v11 =	vor.u32 v5, v10;
	v18 =	vmul.f32 v18, v9;
	v19 =	vmul.f32 v19, v9  }
0x137: {  	s17 =	simm.s32 $0x80;
	v35 =	vld.idx.msk [tilespmem:v15+s22+$0x0], vm6;
	v10 =	vor.u32 v6, v10;
	v20 =	vmul.f32 v20, v9;
	v33 =	vmul.f32 v14, v9  }
0x138: {  	v17 =	vld.idx.msk [tilespmem:v17+s22+$0x0], vm0;
	v14 =	vmov s17;
	[tilespmem:v23+s26+$0x0] =	vst.idx.msk vm1, v18;
	vm1 =	vmmov vm6;
	vm6 =	vgt.s32 v30, $0xC37F  }
0x139: {  	v16 =	vld.idx.msk [tilespmem:v16+s22+$0x0], vm11;
	v13 =	vmul.f32 v13, v9;
	v15 =	vshrl.u32 v14, $0x7;
	[tilespmem:v24+s26+$0x0] =	vst.idx.msk vm7, v19;
	v30 =	vadd.s32 $0xFFFF3C80, v30  }
0x13a: {  	v14 =	vadd.s32 $0xFFFF3C80, v31;
	v15 =	vshll.u32 v15, $0x7;
	vm7 =	vgt.s32 v31, $0xC37F;
	[tilespmem:v26+s26+$0x0] =	vst.idx.msk vm10, v20;
	v20 =	vld.idx.msk [tilespmem:v21+s22+$0x0], vm2  }
0x13b: {  	[tilespmem:v27+s26+$0x0] =	vst.idx.msk vm9, v13;
	v13 =	vadd.s32 $0xFFFF3C80, v32;
	vm10 =	vgt.s32 v34, $0xC37F;
	v19 =	vbroadcast v15, $0x0;
	v23 =	vld.idx.msk [tilespmem:v22+s22+$0x0], vm4  }
0x13c: {  	[tilespmem:v28+s26+$0x0] =	vst.idx.msk vm8, v33;
	v15 =	vadd.s32 $0xFFFF3C80, v34;
	v21 =	vld.idx.msk [tilespmem:v25+s22+$0x0], vm5;
	vm9 =	vmmov vm11;
	vm8 =	vmmov vm12  }
0x13d: {  	v22 =	vld.idx.msk [tilespmem:v29+s22+$0x0], vm3;
	v28 =	vmul.f32 v17, v9;
	v17 =	vmul.f32 v35, v9;
	v26 =	vor.u32 v7, v19  }
0x13e: {  	s9 =	smov.u32 s5;
	s6 =	simm.s32 $0x18C40;
	s3 =	simm.s32 $0x8;
	v18 =	vor.u32 v0, v19;
	v27 =	vor.u32 v1, v19;
	v24 =	vor.u32 v2, v19;
	v25 =	vld.idx.msk [tilespmem:v30+s22+$0x0], vm6  }
.LBB2_11:
0x13f: {  	v29 =	vld [tilespmem:s6+$0x30];
	s3 =	sadd.s32 $0x8, s3;
	v30 =	vor.u32 v3, v19;
	v31 =	vor.u32 v4, v19;
	v16 =	vmul.f32 v16, v9  }
0x140: {  	v33 =	vor.u32 v5, v19;
	v19 =	vor.u32 v6, v19;
	v20 =	vmul.f32 v20, v9;
	v32 =	vld [tilespmem:s6+$0xFFFFFFD0];
	p1 =	slt.u32 s3, $0xF8  }
0x141: {  	v23 =	vmul.f32 v23, v9;
	v34 =	vld [tilespmem:s6+$0xFFFFFFE0];
	[tilespmem:v12+s26+$0x0] =	vst.idx.msk vm0, v28;
	v12 =	vmov v18;
	vm0 =	vmmov vm10  }
0x142: {  	v21 =	vmul.f32 v21, v9;
	v18 =	vld [tilespmem:s6+$0xFFFFFFF0];
	[tilespmem:v26+s26+$0x0] =	vst.idx.msk vm2, v20  }
0x143: {  	v22 =	vmul.f32 v22, v9;
	v20 =	vld [tilespmem:s6+$0x0];
	[tilespmem:v27+s26+$0x0] =	vst.idx.msk vm4, v23  }
0x144: {  	v23 =	vld [tilespmem:s6+$0x10];
	vm2 =	vgt.s32 v29, $0xC37F;
	[tilespmem:v24+s26+$0x0] =	vst.idx.msk vm5, v21;
	v21 =	vmul.f32 v25, v9  }
0x145: {  	v26 =	vadd.s32 $0xFFFF3C80, v29;
	vm4 =	vgt.s32 v32, $0xC37F;
	v24 =	vadd.s32 $0xFFFF3C80, v32;
	v25 =	vld [tilespmem:s6+$0x20];
	[tilespmem:v30+s26+$0x0] =	vst.idx.msk vm3, v22  }
0x146: {  	v22 =	vld [tilespmem:s6+$0xFFFFFFC0];
	vm5 =	vgt.s32 v34, $0xC37F;
	v27 =	vadd.s32 $0xFFFF3C80, v34;
	[tilespmem:v31+s26+$0x0] =	vst.idx.msk vm6, v21  }
0x147: {  	s17 =	sadd.s32 $0x80, s17;
	vm3 =	vgt.s32 v18, $0xC37F;
	v28 =	vadd.s32 $0xFFFF3C80, v18;
	v29 =	vld.idx.msk [tilespmem:v15+s22+$0x0], vm10;
	[tilespmem:v11+s26+$0x0] =	vst.idx.msk vm1, v17;
	v11 =	vmovc v33;
	vm1 =	vmmov vm7  }
0x148: {  	v15 =	vmov s17;
	vm6 =	vgt.s32 v20, $0xC37F;
	v17 =	vadd.s32 $0xFFFF3C80, v20;
	v30 =	vld.idx.msk [tilespmem:v14+s22+$0x0], vm7;
	[tilespmem:v10+s26+$0x0] =	vst.idx.msk vm9, v16;
	v10 =	vmovc v19  }
0x149: {  	v15 =	vshrl.u32 v15, $0x7;
	vm7 =	vgt.s32 v23, $0xC37F;
	v14 =	vadd.s32 $0xFFFF3C80, v23;
	v16 =	vld.idx.msk [tilespmem:v13+s22+$0x0], vm8  }
.Ltmp4:
0x14a: {  	v18 =	vshll.u32 v15, $0x7;
	vm11 =	vgt.s32 v25, $0xC37F;
	v13 =	vadd.s32 $0xFFFF3C80, v25;
	v20 =	vld.idx.msk [tilespmem:v26+s22+$0x0], vm2;
	(pc) =	sbr.rel @p1 .LBB2_11-.Ltmp4, $4  }
0x14b: {  	v19 =	vbroadcast v18, $0x0;
	vm10 =	vgt.s32 v22, $0xC37F;
	v15 =	vadd.s32 $0xFFFF3C80, v22;
	v23 =	vld.idx.msk [tilespmem:v24+s22+$0x0], vm4  }
0x14c: {  	vm9 =	vmmov vm8;
	vm8 =	vmmov vm11;
	v21 =	vld.idx.msk [tilespmem:v27+s22+$0x0], vm5  }
0x14d: {  	v18 =	vor.u32 v0, v19;
	v26 =	vor.u32 v7, v19;
	v22 =	vld.idx.msk [tilespmem:v28+s22+$0x0], vm3;
	v28 =	vmul.f32 v29, v9  }
0x14e: {  	s6 =	sadd.s32 $0x80, s6;
	v27 =	vor.u32 v1, v19;
	v24 =	vor.u32 v2, v19;
	v25 =	vld.idx.msk [tilespmem:v17+s22+$0x0], vm6;
	v17 =	vmul.f32 v30, v9  }
0x14f: {  	_ =	sdelay $0x3  }
0x150: {  	vm10 =	vmmov vm10  }
0x151: {  	v20 =	vmul.f32 v20, v9;
	[tilespmem:v12+s26+$0x0] =	vst.idx.msk vm0, v28  }
0x152: {  	v29 =	vor.u32 v3, v19;
	v16 =	vmul.f32 v16, v9;
	[tilespmem:v11+s26+$0x0] =	vst.idx.msk vm1, v17  }
0x153: {  	v30 =	vor.u32 v4, v19;
	v23 =	vmul.f32 v23, v9;
	[tilespmem:v26+s26+$0x0] =	vst.idx.msk vm2, v20  }
0x154: {  	v14 =	vld.idx.msk [tilespmem:v14+s22+$0x0], vm7;
	v12 =	vmul.f32 v21, v9;
	[tilespmem:v10+s26+$0x0] =	vst.idx.msk vm9, v16  }
0x155: {  	v13 =	vld.idx.msk [tilespmem:v13+s22+$0x0], vm8;
	[tilespmem:v27+s26+$0x0] =	vst.idx.msk vm4, v23;
	v20 =	vmul.f32 v22, v9  }
0x156: {  	v21 =	vor.u32 v5, v19;
	[tilespmem:v24+s26+$0x0] =	vst.idx.msk vm5, v12;
	v12 =	vmul.f32 v25, v9;
	v15 =	vld.idx.msk [tilespmem:v15+s22+$0x0], vm10  }
0x157: {  	v19 =	vor.u32 v6, v19;
	[tilespmem:v29+s26+$0x0] =	vst.idx.msk vm3, v20  }
0x158: {  	[tilespmem:v30+s26+$0x0] =	vst.idx.msk vm6, v12  }
0x159: {  	s0 =	sshll.u32 s8, $0x11;
	v10 =	vmul.f32 v14, v9;
	s2 =	rddreg [dreg:$0x8]  }
0x15a: {  	v12 =	vmul.f32 v13, v9;
	s0 =	sadd.s32 s2, s0  }
0x15b: {  	[tilespmem:v21+s26+$0x0] =	vst.idx.msk vm7, v10;
	s0 =	sor.u32 s1, s0;
	v11 =	vmul.f32 v15, v9  }
0x15c: {  	[tilespmem:v19+s26+$0x0] =	vst.idx.msk vm8, v12;
	s2 =	rddreg [dreg:$0x2];
	s1 =	sshrl.u32 s0, $0x3  }
0x15d: {  	s0 =	sadd.s32 s2, s1;
	[tilespmem:v18+s26+$0x0] =	vst.idx.msk vm10, v11  }
0x15e: {  	[hbm4b:s0+s18] =	stream.strided.scatter [tilespmem:s26], [sflag:$0x5], $0x1000, s19, s18, $0x38;
	[tilespmem:$0x1EB00] =	vst v63  }
0x15f: {  	_ =	swait.ge [sflag:s28], $0x1000  }
0x160: {  	[sflag:s28] =	ssyncset.done $0x0  }
0x161: {  	s3 =	simm.s32 $0x19B40;
	[sflag:s28] =	ssyncadd.s32 $0xFFFFF000  }
0x162: {  	[tilespmem:s21], [sflag:$0x3] =	stream.linear.gather [spmem:s11], $0x1000, $0x38;
	[tilespmem:$0x1EB00] =	vst v63  }
0x163: {  	v10 =	vld [tilespmem:s3+$0x30]  }
0x164: {  	s30 =	simm.s32 $0x1050;
	v17 =	vld [tilespmem:s3+$0xFFFFFFC0]  }
0x165: {  	vm0 =	vmmov vm7;
	s6 =	simm.s32 $0x1030;
	s31 =	simm.s32 $0x1060;
	v58 =	vmov s30;
	v11 =	vld [tilespmem:s3+$0xFFFFFFD0]  }
0x166: {  	s17 =	simm.s32 $0x1040;
	v59 =	vmov s31;
	vm2 =	vmmov vm8;
	v22 =	vmov s6;
	v12 =	vld [tilespmem:s3+$0xFFFFFFE0]  }
0x167: {  	v26 =	vshrl.u32 v59, $0x7;
	v23 =	vmov s17;
	v22 =	vshrl.u32 v22, $0x7;
	v13 =	vld [tilespmem:s3+$0xFFFFFFF0]  }
0x168: {  	s7 =	simm.s32 $0x1010;
	v23 =	vshrl.u32 v23, $0x7;
	v25 =	vshrl.u32 v58, $0x7;
	v14 =	vld [tilespmem:s3+$0x0];
	vm7 =	vgt.s32 v10, $0xC37F  }
0x169: {  	v20 =	vmov s7;
	v15 =	vld [tilespmem:s3+$0x10];
	v10 =	vadd.s32 $0xFFFF3C80, v10;
	vm5 =	vgt.s32 v17, $0xC37F  }
0x16a: {  	s8 =	simm.s32 $0x1070;
	v20 =	vshrl.u32 v20, $0x7;
	v16 =	vld [tilespmem:s3+$0x20];
	vm0 =	vgt.s32 v11, $0xC37F;
	v17 =	vadd.s32 $0xFFFF3C80, v17  }
0x16b: {  	v18 =	vmov s8;
	v11 =	vadd.s32 $0xFFFF3C80, v11;
	vm1 =	vgt.s32 v12, $0xC37F  }
0x16c: {  	v18 =	vshrl.u32 v18, $0x7;
	v12 =	vadd.s32 $0xFFFF3C80, v12;
	vm2 =	vgt.s32 v13, $0xC37F  }
0x16d: {  	v18 =	vshll.u32 v18, v8;
	v13 =	vadd.s32 $0xFFFF3C80, v13;
	vm3 =	vgt.s32 v14, $0xC37F  }
0x16e: {  	s3 =	simm.s32 $0x1020;
	v14 =	vadd.s32 $0xFFFF3C80, v14;
	vm4 =	vgt.s32 v15, $0xC37F;
	v19 =	vld.idx.msk [tilespmem:v10+s22+$0x0], vm7;
	v10 =	vbroadcast v18, $0x0  }
0x16f: {  	s5 =	simm.s32 $0x1000;
	v21 =	vmov s3;
	v15 =	vadd.s32 $0xFFFF3C80, v15;
	vm6 =	vgt.s32 v16, $0xC37F;
	v17 =	vld.idx.msk [tilespmem:v17+s22+$0x0], vm5  }
0x170: {  	v16 =	vadd.s32 $0xFFFF3C80, v16;
	v18 =	vmov s5;
	v57 =	vor.u32 v7, v10;
	v10 =	vld.idx.msk [tilespmem:v11+s22+$0x0], vm0  }
0x171: {  	v61 =	vshll.u32 v20, v8;
	v21 =	vshrl.u32 v21, $0x7;
	v18 =	vshrl.u32 v18, $0x7;
	v11 =	vld.idx.msk [tilespmem:v12+s22+$0x0], vm1  }
0x172: {  	v20 =	vshll.u32 v22, v8;
	v63 =	vshll.u32 v21, v8;
	v12 =	vld.idx.msk [tilespmem:v13+s22+$0x0], vm2;
	v18 =	vshll.u32 v18, v8  }
0x173: {  	v21 =	vshll.u32 v23, v8;
	v13 =	vld.idx.msk [tilespmem:v14+s22+$0x0], vm3;
	v62 =	vbroadcast v18, $0x0;
	v60 =	vmul.f32 v19, v9  }
0x174: {  	v23 =	vbroadcast v61, $0x0;
	v22 =	vbroadcast v63, $0x0;
	v14 =	vld.idx.msk [tilespmem:v15+s22+$0x0], vm4;
	v18 =	vshll.u32 v26, v8  }
0x175: {  	s17 =	simm.s32 $0x0;
	s6 =	simm.s32 $0x19BC0;
	v15 =	vld.idx.msk [tilespmem:v16+s22+$0x0], vm6;
	v19 =	vshll.u32 v25, v8;
	v16 =	vor.u32 v0, v62;
	[tilespmem:v57+s26+$0x0] =	vst.idx.msk vm7, v60  }
.LBB2_13:
0x176: {  	v24 =	vld [tilespmem:s6+$0x30];
	s17 =	sadd.s32 $0x8, s17;
	v20 =	vbroadcast v20, $0x0;
	v21 =	vbroadcast v21, $0x0;
	vm8 =	vmmov vm6  }
0x177: {  	v19 =	vbroadcast v19, $0x0;
	v18 =	vbroadcast v18, $0x0;
	v25 =	vld [tilespmem:s6+$0xFFFFFFD0];
	p1 =	slt.u32 s17, $0xF8;
	v23 =	vor.u32 v1, v23  }
0x178: {  	v10 =	vmul.f32 v10, v9;
	v17 =	vmul.f32 v17, v9;
	v22 =	vor.u32 v2, v22;
	v26 =	vld [tilespmem:s6+$0xFFFFFFE0]  }
0x179: {  	v11 =	vmul.f32 v11, v9;
	v12 =	vmul.f32 v12, v9;
	v20 =	vor.u32 v3, v20;
	v27 =	vld [tilespmem:s6+$0xFFFFFFF0]  }
0x17a: {  	v13 =	vmul.f32 v13, v9;
	v14 =	vmul.f32 v14, v9;
	v21 =	vor.u32 v4, v21;
	v28 =	vld [tilespmem:s6+$0x0]  }
0x17b: {  	v15 =	vmul.f32 v15, v9;
	v29 =	vld [tilespmem:s6+$0x10];
	vm7 =	vgt.s32 v24, $0xC37F;
	[tilespmem:v16+s26+$0x0] =	vst.idx.msk vm5, v17;
	v16 =	vor.u32 v5, v19  }
0x17c: {  	v24 =	vadd.s32 $0xFFFF3C80, v24;
	v17 =	vadd.s32 $0xFFFF3C80, v25;
	v19 =	vld [tilespmem:s6+$0x20];
	[tilespmem:v23+s26+$0x0] =	vst.idx.msk vm0, v10;
	vm0 =	vgt.s32 v25, $0xC37F  }
0x17d: {  	v10 =	vld [tilespmem:s6+$0xFFFFFFC0];
	v23 =	vadd.s32 $0xFFFF3C80, v26;
	[tilespmem:v22+s26+$0x0] =	vst.idx.msk vm1, v11;
	vm1 =	vgt.s32 v26, $0xC37F;
	v11 =	vor.u32 v6, v18  }
0x17e: {  	s8 =	sadd.s32 $0x80, s8;
	v18 =	vadd.s32 $0xFFFF3C80, v27;
	[tilespmem:v20+s26+$0x0] =	vst.idx.msk vm2, v12;
	vm2 =	vgt.s32 v27, $0xC37F  }
0x17f: {  	s0 =	sadd.s32 $0xFFFFFF90, s8;
	s2 =	sadd.s32 $0xFFFFFFA0, s8;
	s3 =	sadd.s32 $0xFFFFFFB0, s8;
	v12 =	vmov s8;
	v20 =	vadd.s32 $0xFFFF3C80, v28;
	[tilespmem:v21+s26+$0x0] =	vst.idx.msk vm3, v13;
	vm3 =	vgt.s32 v28, $0xC37F  }
0x180: {  	s30 =	sadd.s32 $0xFFFFFFC0, s8;
	s31 =	sadd.s32 $0xFFFFFFD0, s8;
	s5 =	sadd.s32 $0xFFFFFFE0, s8;
	v12 =	vshrl.u32 v12, $0x7;
	v21 =	vadd.s32 $0xFFFF3C80, v29;
	[tilespmem:v16+s26+$0x0] =	vst.idx.msk vm4, v14;
	vm4 =	vgt.s32 v29, $0xC37F  }
0x181: {  	s7 =	sadd.s32 $0xFFFFFFF0, s8;
	v12 =	vshll.u32 v12, v8;
	vm6 =	vgt.s32 v19, $0xC37F;
	v16 =	vadd.s32 $0xFFFF3C80, v19;
	v19 =	vld.idx.msk [tilespmem:v24+s22+$0x0], vm7  }
0x182: {  	v13 =	vbroadcast v12, $0x0;
	vm5 =	vgt.s32 v10, $0xC37F;
	v22 =	vadd.s32 $0xFFFF3C80, v10;
	v10 =	vld.idx.msk [tilespmem:v17+s22+$0x0], vm0;
	[tilespmem:v11+s26+$0x0] =	vst.idx.msk vm8, v15  }
0x183: {  	v14 =	vmov s0;
	v15 =	vmov s2;
	v17 =	vmov s3;
	v11 =	vld.idx.msk [tilespmem:v23+s22+$0x0], vm1  }
0x184: {  	v23 =	vmov s31;
	v24 =	vor.u32 v7, v13;
	v12 =	vld.idx.msk [tilespmem:v18+s22+$0x0], vm2;
	v18 =	vmov s30  }
0x185: {  	v26 =	vmov s7;
	v25 =	vshrl.u32 v14, $0x7;
	v13 =	vld.idx.msk [tilespmem:v20+s22+$0x0], vm3;
	v20 =	vmov s5  }
0x186: {  	v27 =	vshrl.u32 v15, $0x7;
	v28 =	vshrl.u32 v17, $0x7;
	v18 =	vshrl.u32 v18, $0x7;
	v14 =	vld.idx.msk [tilespmem:v21+s22+$0x0], vm4  }
.Ltmp5:
0x187: {  	v21 =	vshrl.u32 v23, $0x7;
	v23 =	vshrl.u32 v20, $0x7;
	v15 =	vld.idx.msk [tilespmem:v16+s22+$0x0], vm6;
	v16 =	vmul.f32 v19, v9;
	(pc) =	sbr.rel @p1 .LBB2_13-.Ltmp5, $4  }
0x188: {  	v19 =	vshll.u32 v25, v8;
	v25 =	vshrl.u32 v26, $0x7;
	v17 =	vld.idx.msk [tilespmem:v22+s22+$0x0], vm5;
	v22 =	vshll.u32 v27, v8  }
0x189: {  	v20 =	vshll.u32 v18, v8;
	v26 =	vbroadcast v19, $0x0;
	v27 =	vshll.u32 v28, v8;
	[tilespmem:v24+s26+$0x0] =	vst.idx.msk vm7, v16  }
0x18a: {  	v21 =	vshll.u32 v21, v8;
	v19 =	vshll.u32 v23, v8;
	v18 =	vshll.u32 v25, v8  }
0x18b: {  	s6 =	sadd.s32 $0x80, s6;
	v23 =	vbroadcast v22, $0x0;
	v22 =	vbroadcast v27, $0x0;
	v16 =	vor.u32 v0, v26  }
0x18c: {  	_ = 	snop  }
0x18d: {  	v20 =	vbroadcast v20, $0x0;
	v23 =	vor.u32 v1, v23  }
0x18e: {  	v21 =	vbroadcast v21, $0x0;
	v22 =	vor.u32 v2, v22  }
0x18f: {  	v19 =	vbroadcast v19, $0x0;
	v17 =	vmul.f32 v17, v9;
	v20 =	vor.u32 v3, v20  }
0x190: {  	v18 =	vbroadcast v18, $0x0;
	v10 =	vmul.f32 v10, v9;
	v21 =	vor.u32 v4, v21  }
0x191: {  	vm6 =	vmmov vm6;
	v11 =	vmul.f32 v11, v9;
	[tilespmem:v16+s26+$0x0] =	vst.idx.msk vm5, v17;
	v16 =	vor.u32 v5, v19  }
0x192: {  	v12 =	vmul.f32 v12, v9;
	[tilespmem:v23+s26+$0x0] =	vst.idx.msk vm0, v10;
	v10 =	vor.u32 v6, v18  }
0x193: {  	v13 =	vmul.f32 v13, v9;
	[tilespmem:v22+s26+$0x0] =	vst.idx.msk vm1, v11  }
0x194: {  	v11 =	vmul.f32 v14, v9;
	[tilespmem:v20+s26+$0x0] =	vst.idx.msk vm2, v12  }
0x195: {  	v12 =	vmul.f32 v15, v9;
	[tilespmem:v21+s26+$0x0] =	vst.idx.msk vm3, v13  }
0x196: {  	[tilespmem:v16+s26+$0x0] =	vst.idx.msk vm4, v11  }
0x197: {  	[tilespmem:v10+s26+$0x0] =	vst.idx.msk vm6, v12  }
0x198: {  	s0 =	rddreg [dreg:$0x9]  }
0x199: {  	s2 =	simm.s32 $0x1BB00;
	s0 =	sadd.s32 s1, s0  }
0x19a: {  	[hbm4b:s0+s18] =	stream.strided.scatter [tilespmem:s2], [sflag:$0x6], $0x1000, s19, s18, $0x38;
	[tilespmem:$0x1EB00] =	vst v63  }
0x19b: {  	_ =	swait.ge [sflag:s24], $0x1000  }
0x19c: {  	[sflag:s24] =	ssyncset.done $0x0  }
0x19d: {  	s6 =	simm.s32 $0x18B40;
	[sflag:s24] =	ssyncadd.s32 $0xFFFFF000  }
0x19e: {  	[tilespmem:s25], [sflag:$0x4] =	stream.linear.gather [spmem:s12], $0x1000, $0x38;
	[tilespmem:$0x1EB00] =	vst v63  }
0x19f: {  	v10 =	vld [tilespmem:s6+$0x30]  }
0x1a0: {  	s30 =	simm.s32 $0x2050;
	v17 =	vld [tilespmem:s6+$0xFFFFFFC0]  }
0x1a1: {  	s31 =	simm.s32 $0x2060;
	v25 =	vmov s30;
	v11 =	vld [tilespmem:s6+$0xFFFFFFD0]  }
0x1a2: {  	s8 =	simm.s32 $0x2070;
	s5 =	simm.s32 $0x2030;
	v26 =	vmov s31;
	v25 =	vshrl.u32 v25, $0x7;
	v12 =	vld [tilespmem:s6+$0xFFFFFFE0]  }
0x1a3: {  	s17 =	simm.s32 $0x2010;
	v26 =	vshrl.u32 v26, $0x7;
	v18 =	vmov s8;
	v22 =	vmov s5;
	v13 =	vld [tilespmem:s6+$0xFFFFFFF0]  }
0x1a4: {  	s3 =	simm.s32 $0x2020;
	v18 =	vshrl.u32 v18, $0x7;
	v20 =	vmov s17;
	v14 =	vld [tilespmem:s6+$0x0];
	vm7 =	vgt.s32 v10, $0xC37F  }
0x1a5: {  	v21 =	vmov s3;
	v15 =	vld [tilespmem:s6+$0x10];
	v10 =	vadd.s32 $0xFFFF3C80, v10;
	vm5 =	vgt.s32 v17, $0xC37F  }
0x1a6: {  	v22 =	vshrl.u32 v22, $0x7;
	v16 =	vld [tilespmem:s6+$0x20];
	vm0 =	vgt.s32 v11, $0xC37F;
	v17 =	vadd.s32 $0xFFFF3C80, v17  }
0x1a7: {  	v18 =	vshll.u32 v18, v8;
	v11 =	vadd.s32 $0xFFFF3C80, v11;
	vm1 =	vgt.s32 v12, $0xC37F  }
0x1a8: {  	v20 =	vshrl.u32 v20, $0x7;
	v12 =	vadd.s32 $0xFFFF3C80, v12;
	vm2 =	vgt.s32 v13, $0xC37F  }
0x1a9: {  	v21 =	vshrl.u32 v21, $0x7;
	v13 =	vadd.s32 $0xFFFF3C80, v13;
	vm3 =	vgt.s32 v14, $0xC37F  }
0x1aa: {  	v14 =	vadd.s32 $0xFFFF3C80, v14;
	vm4 =	vgt.s32 v15, $0xC37F;
	v19 =	vld.idx.msk [tilespmem:v10+s22+$0x0], vm7;
	v10 =	vbroadcast v18, $0x0  }
0x1ab: {  	s7 =	simm.s32 $0x2000;
	v28 =	vshll.u32 v20, v8;
	v15 =	vadd.s32 $0xFFFF3C80, v15;
	vm6 =	vgt.s32 v16, $0xC37F;
	v17 =	vld.idx.msk [tilespmem:v17+s22+$0x0], vm5  }
0x1ac: {  	v16 =	vadd.s32 $0xFFFF3C80, v16;
	v18 =	vmov s7;
	v24 =	vor.u32 v7, v10;
	v10 =	vld.idx.msk [tilespmem:v11+s22+$0x0], vm0  }
0x1ad: {  	v30 =	vshll.u32 v21, v8;
	v20 =	vshll.u32 v22, v8;
	s6 =	simm.s32 $0x2040;
	v18 =	vshrl.u32 v18, $0x7;
	v11 =	vld.idx.msk [tilespmem:v12+s22+$0x0], vm1  }
0x1ae: {  	v22 =	vbroadcast v30, $0x0;
	v23 =	vmov s6;
	v12 =	vld.idx.msk [tilespmem:v13+s22+$0x0], vm2;
	v18 =	vshll.u32 v18, v8  }
0x1af: {  	v23 =	vshrl.u32 v23, $0x7;
	v13 =	vld.idx.msk [tilespmem:v14+s22+$0x0], vm3;
	v29 =	vbroadcast v18, $0x0;
	v27 =	vmul.f32 v19, v9  }
0x1b0: {  	v21 =	vshll.u32 v23, v8;
	v23 =	vbroadcast v28, $0x0;
	v14 =	vld.idx.msk [tilespmem:v15+s22+$0x0], vm4;
	v18 =	vshll.u32 v26, v8  }
0x1b1: {  	s17 =	simm.s32 $0x0;
	s6 =	simm.s32 $0x18BC0;
	v15 =	vld.idx.msk [tilespmem:v16+s22+$0x0], vm6;
	v19 =	vshll.u32 v25, v8;
	v16 =	vor.u32 v0, v29;
	[tilespmem:v24+s26+$0x0] =	vst.idx.msk vm7, v27  }
.LBB2_15:
0x1b2: {  	v24 =	vld [tilespmem:s6+$0x30];
	s17 =	sadd.s32 $0x8, s17;
	v20 =	vbroadcast v20, $0x0;
	v21 =	vbroadcast v21, $0x0;
	vm8 =	vmmov vm6  }
0x1b3: {  	v19 =	vbroadcast v19, $0x0;
	v18 =	vbroadcast v18, $0x0;
	v25 =	vld [tilespmem:s6+$0xFFFFFFD0];
	p1 =	slt.u32 s17, $0xF8;
	v23 =	vor.u32 v1, v23  }
0x1b4: {  	v10 =	vmul.f32 v10, v9;
	v17 =	vmul.f32 v17, v9;
	v22 =	vor.u32 v2, v22;
	v26 =	vld [tilespmem:s6+$0xFFFFFFE0]  }
0x1b5: {  	v11 =	vmul.f32 v11, v9;
	v12 =	vmul.f32 v12, v9;
	v20 =	vor.u32 v3, v20;
	v27 =	vld [tilespmem:s6+$0xFFFFFFF0]  }
0x1b6: {  	v13 =	vmul.f32 v13, v9;
	v14 =	vmul.f32 v14, v9;
	v21 =	vor.u32 v4, v21;
	v28 =	vld [tilespmem:s6+$0x0]  }
0x1b7: {  	v15 =	vmul.f32 v15, v9;
	v29 =	vld [tilespmem:s6+$0x10];
	vm7 =	vgt.s32 v24, $0xC37F;
	[tilespmem:v16+s26+$0x0] =	vst.idx.msk vm5, v17;
	v16 =	vor.u32 v5, v19  }
0x1b8: {  	v24 =	vadd.s32 $0xFFFF3C80, v24;
	v17 =	vadd.s32 $0xFFFF3C80, v25;
	v19 =	vld [tilespmem:s6+$0x20];
	[tilespmem:v23+s26+$0x0] =	vst.idx.msk vm0, v10;
	vm0 =	vgt.s32 v25, $0xC37F  }
0x1b9: {  	v10 =	vld [tilespmem:s6+$0xFFFFFFC0];
	v23 =	vadd.s32 $0xFFFF3C80, v26;
	[tilespmem:v22+s26+$0x0] =	vst.idx.msk vm1, v11;
	vm1 =	vgt.s32 v26, $0xC37F;
	v11 =	vor.u32 v6, v18  }
0x1ba: {  	s8 =	sadd.s32 $0x80, s8;
	v18 =	vadd.s32 $0xFFFF3C80, v27;
	[tilespmem:v20+s26+$0x0] =	vst.idx.msk vm2, v12;
	vm2 =	vgt.s32 v27, $0xC37F  }
0x1bb: {  	s0 =	sadd.s32 $0xFFFFFF90, s8;
	s2 =	sadd.s32 $0xFFFFFFA0, s8;
	s3 =	sadd.s32 $0xFFFFFFB0, s8;
	v12 =	vmov s8;
	v20 =	vadd.s32 $0xFFFF3C80, v28;
	[tilespmem:v21+s26+$0x0] =	vst.idx.msk vm3, v13;
	vm3 =	vgt.s32 v28, $0xC37F  }
0x1bc: {  	s5 =	sadd.s32 $0xFFFFFFC0, s8;
	s7 =	sadd.s32 $0xFFFFFFD0, s8;
	s30 =	sadd.s32 $0xFFFFFFE0, s8;
	v12 =	vshrl.u32 v12, $0x7;
	v21 =	vadd.s32 $0xFFFF3C80, v29;
	[tilespmem:v16+s26+$0x0] =	vst.idx.msk vm4, v14;
	vm4 =	vgt.s32 v29, $0xC37F  }
0x1bd: {  	s31 =	sadd.s32 $0xFFFFFFF0, s8;
	v12 =	vshll.u32 v12, v8;
	vm6 =	vgt.s32 v19, $0xC37F;
	v16 =	vadd.s32 $0xFFFF3C80, v19;
	v19 =	vld.idx.msk [tilespmem:v24+s22+$0x0], vm7  }
0x1be: {  	v13 =	vbroadcast v12, $0x0;
	vm5 =	vgt.s32 v10, $0xC37F;
	v22 =	vadd.s32 $0xFFFF3C80, v10;
	v10 =	vld.idx.msk [tilespmem:v17+s22+$0x0], vm0;
	[tilespmem:v11+s26+$0x0] =	vst.idx.msk vm8, v15  }
0x1bf: {  	v14 =	vmov s0;
	v15 =	vmov s2;
	v17 =	vmov s3;
	v11 =	vld.idx.msk [tilespmem:v23+s22+$0x0], vm1  }
0x1c0: {  	v23 =	vmov s7;
	v24 =	vor.u32 v7, v13;
	v12 =	vld.idx.msk [tilespmem:v18+s22+$0x0], vm2;
	v18 =	vmov s5  }
0x1c1: {  	v26 =	vmov s31;
	v25 =	vshrl.u32 v14, $0x7;
	v13 =	vld.idx.msk [tilespmem:v20+s22+$0x0], vm3;
	v20 =	vmov s30  }
0x1c2: {  	v27 =	vshrl.u32 v15, $0x7;
	v28 =	vshrl.u32 v17, $0x7;
	v18 =	vshrl.u32 v18, $0x7;
	v14 =	vld.idx.msk [tilespmem:v21+s22+$0x0], vm4  }
.Ltmp6:
0x1c3: {  	v21 =	vshrl.u32 v23, $0x7;
	v23 =	vshrl.u32 v20, $0x7;
	v15 =	vld.idx.msk [tilespmem:v16+s22+$0x0], vm6;
	v16 =	vmul.f32 v19, v9;
	(pc) =	sbr.rel @p1 .LBB2_15-.Ltmp6, $4  }
0x1c4: {  	v19 =	vshll.u32 v25, v8;
	v25 =	vshrl.u32 v26, $0x7;
	v17 =	vld.idx.msk [tilespmem:v22+s22+$0x0], vm5;
	v22 =	vshll.u32 v27, v8  }
0x1c5: {  	v20 =	vshll.u32 v18, v8;
	v26 =	vbroadcast v19, $0x0;
	v27 =	vshll.u32 v28, v8;
	[tilespmem:v24+s26+$0x0] =	vst.idx.msk vm7, v16  }
0x1c6: {  	v21 =	vshll.u32 v21, v8;
	v19 =	vshll.u32 v23, v8;
	v18 =	vshll.u32 v25, v8  }
0x1c7: {  	s6 =	sadd.s32 $0x80, s6;
	v23 =	vbroadcast v22, $0x0;
	v22 =	vbroadcast v27, $0x0;
	v16 =	vor.u32 v0, v26  }
0x1c8: {  	_ = 	snop  }
0x1c9: {  	v20 =	vbroadcast v20, $0x0;
	v23 =	vor.u32 v1, v23  }
0x1ca: {  	v21 =	vbroadcast v21, $0x0;
	v22 =	vor.u32 v2, v22  }
0x1cb: {  	v19 =	vbroadcast v19, $0x0;
	v17 =	vmul.f32 v17, v9;
	v20 =	vor.u32 v3, v20  }
0x1cc: {  	v18 =	vbroadcast v18, $0x0;
	v10 =	vmul.f32 v10, v9;
	v21 =	vor.u32 v4, v21  }
0x1cd: {  	vm6 =	vmmov vm6;
	v11 =	vmul.f32 v11, v9;
	[tilespmem:v16+s26+$0x0] =	vst.idx.msk vm5, v17;
	v16 =	vor.u32 v5, v19  }
0x1ce: {  	v12 =	vmul.f32 v12, v9;
	[tilespmem:v23+s26+$0x0] =	vst.idx.msk vm0, v10;
	v10 =	vor.u32 v6, v18  }
0x1cf: {  	v13 =	vmul.f32 v13, v9;
	[tilespmem:v22+s26+$0x0] =	vst.idx.msk vm1, v11  }
0x1d0: {  	v11 =	vmul.f32 v14, v9;
	[tilespmem:v20+s26+$0x0] =	vst.idx.msk vm2, v12  }
0x1d1: {  	v12 =	vmul.f32 v15, v9;
	[tilespmem:v21+s26+$0x0] =	vst.idx.msk vm3, v13  }
0x1d2: {  	[tilespmem:v16+s26+$0x0] =	vst.idx.msk vm4, v11  }
0x1d3: {  	s0 =	sadd.s32 s1, s15;
	s2 =	simm.s32 $0x1CB00;
	[tilespmem:v10+s26+$0x0] =	vst.idx.msk vm6, v12  }
0x1d4: {  	[hbm4b:s0+s18] =	stream.strided.scatter [tilespmem:s2], [sflag:$0x7], $0x1000, s19, s18, $0x38;
	[tilespmem:$0x1EB00] =	vst v63  }
0x1d5: {  	_ =	swait.ge [sflag:s28], $0x1000  }
0x1d6: {  	[sflag:s28] =	ssyncset.done $0x0  }
0x1d7: {  	s6 =	simm.s32 $0x19B40;
	[sflag:s28] =	ssyncadd.s32 $0xFFFFF000  }
0x1d8: {  	[tilespmem:s21], [sflag:$0x3] =	stream.linear.gather [spmem:s4], $0x1000, $0x38;
	[tilespmem:$0x1EB00] =	vst v63  }
0x1d9: {  	v10 =	vld [tilespmem:s6+$0x30]  }
0x1da: {  	s30 =	simm.s32 $0x3050;
	v17 =	vld [tilespmem:s6+$0xFFFFFFC0]  }
0x1db: {  	s31 =	simm.s32 $0x3060;
	v25 =	vmov s30;
	v11 =	vld [tilespmem:s6+$0xFFFFFFD0]  }
0x1dc: {  	s8 =	simm.s32 $0x3070;
	s5 =	simm.s32 $0x3030;
	v26 =	vmov s31;
	v25 =	vshrl.u32 v25, $0x7;
	v12 =	vld [tilespmem:s6+$0xFFFFFFE0]  }
0x1dd: {  	s17 =	simm.s32 $0x3010;
	v26 =	vshrl.u32 v26, $0x7;
	v18 =	vmov s8;
	v22 =	vmov s5;
	v13 =	vld [tilespmem:s6+$0xFFFFFFF0]  }
0x1de: {  	s3 =	simm.s32 $0x3020;
	v18 =	vshrl.u32 v18, $0x7;
	v20 =	vmov s17;
	v14 =	vld [tilespmem:s6+$0x0];
	vm7 =	vgt.s32 v10, $0xC37F  }
0x1df: {  	v21 =	vmov s3;
	v15 =	vld [tilespmem:s6+$0x10];
	v10 =	vadd.s32 $0xFFFF3C80, v10;
	vm5 =	vgt.s32 v17, $0xC37F  }
0x1e0: {  	v22 =	vshrl.u32 v22, $0x7;
	v16 =	vld [tilespmem:s6+$0x20];
	vm0 =	vgt.s32 v11, $0xC37F;
	v17 =	vadd.s32 $0xFFFF3C80, v17  }
0x1e1: {  	v18 =	vshll.u32 v18, v8;
	v11 =	vadd.s32 $0xFFFF3C80, v11;
	vm1 =	vgt.s32 v12, $0xC37F  }
0x1e2: {  	v20 =	vshrl.u32 v20, $0x7;
	v12 =	vadd.s32 $0xFFFF3C80, v12;
	vm2 =	vgt.s32 v13, $0xC37F  }
0x1e3: {  	v21 =	vshrl.u32 v21, $0x7;
	v13 =	vadd.s32 $0xFFFF3C80, v13;
	vm3 =	vgt.s32 v14, $0xC37F  }
0x1e4: {  	v14 =	vadd.s32 $0xFFFF3C80, v14;
	vm4 =	vgt.s32 v15, $0xC37F;
	v19 =	vld.idx.msk [tilespmem:v10+s22+$0x0], vm7;
	v10 =	vbroadcast v18, $0x0  }
0x1e5: {  	s7 =	simm.s32 $0x3000;
	v28 =	vshll.u32 v20, v8;
	v15 =	vadd.s32 $0xFFFF3C80, v15;
	vm6 =	vgt.s32 v16, $0xC37F;
	v17 =	vld.idx.msk [tilespmem:v17+s22+$0x0], vm5  }
0x1e6: {  	v16 =	vadd.s32 $0xFFFF3C80, v16;
	v18 =	vmov s7;
	v24 =	vor.u32 v7, v10;
	v10 =	vld.idx.msk [tilespmem:v11+s22+$0x0], vm0  }
0x1e7: {  	v30 =	vshll.u32 v21, v8;
	v20 =	vshll.u32 v22, v8;
	s6 =	simm.s32 $0x3040;
	v18 =	vshrl.u32 v18, $0x7;
	v11 =	vld.idx.msk [tilespmem:v12+s22+$0x0], vm1  }
0x1e8: {  	v22 =	vbroadcast v30, $0x0;
	v23 =	vmov s6;
	v12 =	vld.idx.msk [tilespmem:v13+s22+$0x0], vm2;
	v18 =	vshll.u32 v18, v8  }
0x1e9: {  	v23 =	vshrl.u32 v23, $0x7;
	v13 =	vld.idx.msk [tilespmem:v14+s22+$0x0], vm3;
	v29 =	vbroadcast v18, $0x0;
	v27 =	vmul.f32 v19, v9  }
0x1ea: {  	v21 =	vshll.u32 v23, v8;
	v23 =	vbroadcast v28, $0x0;
	v14 =	vld.idx.msk [tilespmem:v15+s22+$0x0], vm4;
	v18 =	vshll.u32 v26, v8  }
0x1eb: {  	s17 =	simm.s32 $0x0;
	s6 =	simm.s32 $0x19BC0;
	v15 =	vld.idx.msk [tilespmem:v16+s22+$0x0], vm6;
	v19 =	vshll.u32 v25, v8;
	v16 =	vor.u32 v0, v29;
	[tilespmem:v24+s26+$0x0] =	vst.idx.msk vm7, v27  }
.LBB2_17:
0x1ec: {  	v24 =	vld [tilespmem:s6+$0x30];
	s17 =	sadd.s32 $0x8, s17;
	v20 =	vbroadcast v20, $0x0;
	v21 =	vbroadcast v21, $0x0;
	vm8 =	vmmov vm6  }
0x1ed: {  	v19 =	vbroadcast v19, $0x0;
	v18 =	vbroadcast v18, $0x0;
	v25 =	vld [tilespmem:s6+$0xFFFFFFD0];
	p1 =	slt.u32 s17, $0xF8;
	v23 =	vor.u32 v1, v23  }
0x1ee: {  	v10 =	vmul.f32 v10, v9;
	v17 =	vmul.f32 v17, v9;
	v22 =	vor.u32 v2, v22;
	v26 =	vld [tilespmem:s6+$0xFFFFFFE0]  }
0x1ef: {  	v11 =	vmul.f32 v11, v9;
	v12 =	vmul.f32 v12, v9;
	v20 =	vor.u32 v3, v20;
	v27 =	vld [tilespmem:s6+$0xFFFFFFF0]  }
0x1f0: {  	v13 =	vmul.f32 v13, v9;
	v14 =	vmul.f32 v14, v9;
	v21 =	vor.u32 v4, v21;
	v28 =	vld [tilespmem:s6+$0x0]  }
0x1f1: {  	v15 =	vmul.f32 v15, v9;
	v29 =	vld [tilespmem:s6+$0x10];
	vm7 =	vgt.s32 v24, $0xC37F;
	[tilespmem:v16+s26+$0x0] =	vst.idx.msk vm5, v17;
	v16 =	vor.u32 v5, v19  }
0x1f2: {  	v24 =	vadd.s32 $0xFFFF3C80, v24;
	v17 =	vadd.s32 $0xFFFF3C80, v25;
	v19 =	vld [tilespmem:s6+$0x20];
	[tilespmem:v23+s26+$0x0] =	vst.idx.msk vm0, v10;
	vm0 =	vgt.s32 v25, $0xC37F  }
0x1f3: {  	v10 =	vld [tilespmem:s6+$0xFFFFFFC0];
	v23 =	vadd.s32 $0xFFFF3C80, v26;
	[tilespmem:v22+s26+$0x0] =	vst.idx.msk vm1, v11;
	vm1 =	vgt.s32 v26, $0xC37F;
	v11 =	vor.u32 v6, v18  }
0x1f4: {  	s8 =	sadd.s32 $0x80, s8;
	v18 =	vadd.s32 $0xFFFF3C80, v27;
	[tilespmem:v20+s26+$0x0] =	vst.idx.msk vm2, v12;
	vm2 =	vgt.s32 v27, $0xC37F  }
0x1f5: {  	s0 =	sadd.s32 $0xFFFFFF90, s8;
	s2 =	sadd.s32 $0xFFFFFFA0, s8;
	s3 =	sadd.s32 $0xFFFFFFB0, s8;
	v12 =	vmov s8;
	v20 =	vadd.s32 $0xFFFF3C80, v28;
	[tilespmem:v21+s26+$0x0] =	vst.idx.msk vm3, v13;
	vm3 =	vgt.s32 v28, $0xC37F  }
0x1f6: {  	s5 =	sadd.s32 $0xFFFFFFC0, s8;
	s7 =	sadd.s32 $0xFFFFFFD0, s8;
	s30 =	sadd.s32 $0xFFFFFFE0, s8;
	v12 =	vshrl.u32 v12, $0x7;
	v21 =	vadd.s32 $0xFFFF3C80, v29;
	[tilespmem:v16+s26+$0x0] =	vst.idx.msk vm4, v14;
	vm4 =	vgt.s32 v29, $0xC37F  }
0x1f7: {  	s31 =	sadd.s32 $0xFFFFFFF0, s8;
	v12 =	vshll.u32 v12, v8;
	vm6 =	vgt.s32 v19, $0xC37F;
	v16 =	vadd.s32 $0xFFFF3C80, v19;
	v19 =	vld.idx.msk [tilespmem:v24+s22+$0x0], vm7  }
0x1f8: {  	v13 =	vbroadcast v12, $0x0;
	vm5 =	vgt.s32 v10, $0xC37F;
	v22 =	vadd.s32 $0xFFFF3C80, v10;
	v10 =	vld.idx.msk [tilespmem:v17+s22+$0x0], vm0;
	[tilespmem:v11+s26+$0x0] =	vst.idx.msk vm8, v15  }
0x1f9: {  	v14 =	vmov s0;
	v15 =	vmov s2;
	v17 =	vmov s3;
	v11 =	vld.idx.msk [tilespmem:v23+s22+$0x0], vm1  }
0x1fa: {  	v23 =	vmov s7;
	v24 =	vor.u32 v7, v13;
	v12 =	vld.idx.msk [tilespmem:v18+s22+$0x0], vm2;
	v18 =	vmov s5  }
0x1fb: {  	v26 =	vmov s31;
	v25 =	vshrl.u32 v14, $0x7;
	v13 =	vld.idx.msk [tilespmem:v20+s22+$0x0], vm3;
	v20 =	vmov s30  }
0x1fc: {  	v27 =	vshrl.u32 v15, $0x7;
	v28 =	vshrl.u32 v17, $0x7;
	v18 =	vshrl.u32 v18, $0x7;
	v14 =	vld.idx.msk [tilespmem:v21+s22+$0x0], vm4  }
.Ltmp7:
0x1fd: {  	v21 =	vshrl.u32 v23, $0x7;
	v23 =	vshrl.u32 v20, $0x7;
	v15 =	vld.idx.msk [tilespmem:v16+s22+$0x0], vm6;
	v16 =	vmul.f32 v19, v9;
	(pc) =	sbr.rel @p1 .LBB2_17-.Ltmp7, $4  }
0x1fe: {  	v19 =	vshll.u32 v25, v8;
	v25 =	vshrl.u32 v26, $0x7;
	v17 =	vld.idx.msk [tilespmem:v22+s22+$0x0], vm5;
	v22 =	vshll.u32 v27, v8  }
0x1ff: {  	v20 =	vshll.u32 v18, v8;
	v26 =	vbroadcast v19, $0x0;
	v27 =	vshll.u32 v28, v8;
	[tilespmem:v24+s26+$0x0] =	vst.idx.msk vm7, v16  }
0x200: {  	v21 =	vshll.u32 v21, v8;
	v19 =	vshll.u32 v23, v8;
	v18 =	vshll.u32 v25, v8  }
0x201: {  	s6 =	sadd.s32 $0x80, s6;
	v23 =	vbroadcast v22, $0x0;
	v22 =	vbroadcast v27, $0x0;
	v16 =	vor.u32 v0, v26  }
0x202: {  	_ = 	snop  }
0x203: {  	v20 =	vbroadcast v20, $0x0;
	v23 =	vor.u32 v1, v23  }
0x204: {  	v21 =	vbroadcast v21, $0x0;
	v22 =	vor.u32 v2, v22  }
0x205: {  	v19 =	vbroadcast v19, $0x0;
	v17 =	vmul.f32 v17, v9;
	v20 =	vor.u32 v3, v20  }
0x206: {  	v18 =	vbroadcast v18, $0x0;
	v10 =	vmul.f32 v10, v9;
	v21 =	vor.u32 v4, v21  }
0x207: {  	vm6 =	vmmov vm6;
	v11 =	vmul.f32 v11, v9;
	v63 =	vor.u32 v5, v19;
	[tilespmem:v16+s26+$0x0] =	vst.idx.msk vm5, v17  }
0x208: {  	v12 =	vmul.f32 v12, v9;
	[tilespmem:v23+s26+$0x0] =	vst.idx.msk vm0, v10;
	v10 =	vor.u32 v6, v18  }
0x209: {  	v13 =	vmul.f32 v13, v9;
	p1 =	sne.s32 s20, $0x20;
	[tilespmem:v22+s26+$0x0] =	vst.idx.msk vm1, v11  }
.Ltmp8:
0x20a: {  	v11 =	vmul.f32 v14, v9;
	[tilespmem:v20+s26+$0x0] =	vst.idx.msk vm2, v12;
	(pc) =	sbr.rel @p1 .LBB2_2-.Ltmp8, $4  }
0x20b: {  	v9 =	vmul.f32 v15, v9;
	[tilespmem:v21+s26+$0x0] =	vst.idx.msk vm3, v13  }
0x20c: {  	s0 =	sadd.s32 s1, s16;
	[tilespmem:v63+s26+$0x0] =	vst.idx.msk vm4, v11  }
0x20d: {  	s31 =	simm.s32 $0x1DB00;
	s17 =	smov.u32 s20;
	s5 =	smov.u32 s9;
	[tilespmem:v10+s26+$0x0] =	vst.idx.msk vm6, v9  }
0x20e: {  	[hbm4b:s0+s18] =	stream.strided.scatter [tilespmem:s31], [sflag:$0x8], $0x1000, s19, s18, $0x38;
	[tilespmem:$0x1EB00] =	vst v63  }
0x20f: {  	_ =	swait.ge [sflag:s24], $0x1000  }
0x210: {  	[sflag:s24] =	ssyncset.done $0x0  }
0x211: {  	s0 =	simm.s32 $0x5;
	[sflag:s24] =	ssyncadd.s32 $0xFFFFF000  }
0x212: {  	_ =	swait.ge [sflag:s0], $0x1000  }
0x213: {  	[sflag:s0] =	ssyncset.done $0x0  }
0x214: {  	s20 =	simm.s32 $0x6;
	[sflag:s0] =	ssyncadd.s32 $0xFFFFF000  }
0x215: {  	_ =	swait.ge [sflag:s20], $0x1000  }
0x216: {  	[sflag:s20] =	ssyncset.done $0x0  }
0x217: {  	s30 =	simm.s32 $0x7;
	[sflag:s20] =	ssyncadd.s32 $0xFFFFF000  }
0x218: {  	_ =	swait.ge [sflag:s30], $0x1000  }
0x219: {  	[sflag:s30] =	ssyncset.done $0x0  }
0x21a: {  	s1 =	simm.s32 $0x8;
	[sflag:s30] =	ssyncadd.s32 $0xFFFFF000  }
0x21b: {  	_ =	swait.ge [sflag:s1], $0x1000  }
0x21c: {  	s8 =	rddreg [dreg:$0x5]  }
0x21d: {  	s31 =	rddreg [dreg:$0xa];
	s8 =	sadd.s32 $0x1, s8  }
0x21e: {  	p1 =	sne.s32 s8, s31  }
.Ltmp9:
0x21f: {  	_ = 	snop;
	(pc) =	sbr.rel @p1 .LBB2_1-.Ltmp9, $3  }
0x220: {  	_ =	sdelay $0x1  }
0x221: {  	[sflag:s1] =	ssyncset.done $0x0  }
0x222: {  	[sflag:s1] =	ssyncadd.s32 $0xFFFFF000  }
0x223: {  	_ =	sfence.sel $0x180000  }
0x224: {  	[bflag:$0x0] =	sbarrier.arrive $0xFFFF  }
0x225: {  	_ =	strace $0x90000047  }
0x226: {  	[bflag:$0x2] =	sbarrier.arrive $0xFFFF  }
0x227: {  	s0 =	rddreg [dreg:$0x4]  }
0x228: {  	s0 =	sadd.s32 @!p0 $0x100000, s0  }
0x229: {  	[sflag:s0] =	ssyncadd.tile.s32 @!p0 $0x1;
	_ =	shalt  }
.Lfunc_end2:
_tile_overlayer_lowered:
.L_overlay_start_2:
0x22a: {  	(tag) =	ssettag $0x2  }
0x22b: {  	s0 =	rddreg [dreg:$0x0];
	s2 =	stileid.u32  }
0x22c: {  	s1 =	rddreg [dreg:$0x1];
	p0 =	sne.s32 s2, $0x0  }
0x22d: {  	s3 =	rddreg [dreg:$0x2];
	[bflag:$0x3] =	sbarrier.arrive $0xFFFF;
	s2 =	simm.s32 @!p0 $0x1C09  }
0x22e: {  	[timem:s3], [sflag:s2] =	dma.local @!p0 [hbm:s0], s1  }
0x22f: {  	s0 =	simm.s32 @!p0 $0x9  }
0x230: {  	_ =	swait.ge @!p0 [sflag:s0], s1  }
0x231: {  	s1 =	ssub.s32 @!p0 $0x0, s1;
	[sflag:s0] =	ssyncset.done @!p0 $0x0  }
0x232: {  	[sflag:s0] =	ssyncadd.s32 @!p0 s1  }
0x233: {  	[bflag:$0x3] =	sbarrier.arrive $0xFFFF  }
0x234: {  	_ =	shalt  }

</sc_bundles>
